<compile_context>
chip_gen: v7x
topology: tpu7x:2x2x1
jax: 0.10.2.dev20260603
libtpu: 0.0.44.dev20260713+nightly
codegen_flags: <defaults>
</compile_context>

<pallas_src>
import functools

import jax
import jax.numpy as jnp
from jax import lax
from jax.experimental import pallas as pl
from jax.experimental.pallas import tpu as pltpu
from jax.experimental.pallas import tpu_sc as plsc

_LANES = 16

_GATHER_DNUMS = lax.GatherDimensionNumbers(
    offset_dims=(), collapsed_slice_dims=(0,), start_index_map=(0,))


def _shuffle(x, idx):
    return lax.gather(x, idx[:, None], _GATHER_DNUMS, (1,),
                      indices_are_sorted=False, unique_indices=True,
                      mode=lax.GatherScatterMode.PROMISE_IN_BOUNDS)


@functools.lru_cache(maxsize=None)
def _build_sc_kernel(B, S, V):
    info = plsc.get_sparse_core_info()
    num_cores = info.num_cores
    num_workers = info.num_cores * info.num_subcores
    assert B == num_workers, (B, num_workers)
    assert V % _LANES == 0
    mesh = plsc.VectorSubcoreMesh(core_axis_name="c", subcore_axis_name="s")

    @functools.partial(
        pl.kernel,
        mesh=mesh,
        out_type=(
            jax.ShapeDtypeStruct((B, _LANES), jnp.int32),
            jax.ShapeDtypeStruct((B, V), jnp.float32),
        ),
        scratch_types=(
            pltpu.VMEM((V,), jnp.float32),
            pltpu.VMEM((_LANES,), jnp.int32),
            pltpu.SemaphoreType.DMA,
            pltpu.SemaphoreType.DMA,
        ),
    )
    def sc_kernel(probas_hbm, cand_hbm, prob_hbm, buf, idx_buf, in_sem, out_sem):
        wid = lax.axis_index("s") * num_cores + lax.axis_index("c")

        pltpu.async_copy(probas_hbm.at[wid, S - 1], buf, in_sem).wait()
        out_handle = pltpu.async_copy(buf, prob_hbm.at[wid], out_sem)

        lane = lax.iota(jnp.int32, _LANES)
        intmax = jnp.int32(2**31 - 1)

        K = 10
        group = K * _LANES
        assert V % group == 0

        def body(j, carry):
            ms, mis, iv = carry
            new_ms, new_mis = [], []
            for k in range(K):
                v = buf[pl.ds(j * group + k * _LANES, _LANES)]
                pred = v > ms[k]
                new_ms.append(jnp.where(pred, v, ms[k]))
                new_mis.append(jnp.where(pred, iv, mis[k]))
            return tuple(new_ms), tuple(new_mis), iv + group

        ms0 = tuple(jnp.full((_LANES,), -jnp.inf, jnp.float32) for _ in range(K))
        mis0 = tuple(jnp.zeros((_LANES,), jnp.int32) for _ in range(K))
        ms, mis, _ = lax.fori_loop(0, V // group, body,
                                   (ms0, mis0, jnp.zeros((_LANES,), jnp.int32)),
                                   unroll=4)

        fis = [mis[k] + (k * _LANES) + lane for k in range(K)]

        mlane = ms[0]
        for k in range(1, K):
            mlane = jnp.maximum(mlane, ms[k])
        cand = intmax
        for k in range(K):
            cand = jnp.minimum(cand, jnp.where(ms[k] == mlane, fis[k], intmax))

        gm = mlane
        for k in (1, 2, 4, 8):
            gm = jnp.maximum(gm, _shuffle(gm, lane ^ k))
        cand = jnp.where(mlane == gm, cand, intmax)
        for k in (1, 2, 4, 8):
            cand = jnp.minimum(cand, _shuffle(cand, lane ^ k))
        idx_buf[...] = cand
        pltpu.sync_copy(idx_buf, cand_hbm.at[wid])
        out_handle.wait()

    return sc_kernel


def kernel(probas, greedy):
    B, S, V = probas.shape
    cand16, last_prob = _build_sc_kernel(B, S, V)(probas)
    greedy_candidate = cand16[:, 0]

    def _greedy_branch(ops):
        return ops[0]

    def _sampled_branch(ops):
        key = jax.random.key(42)
        return jax.random.categorical(key, jnp.log(ops[1] + 1e-20), axis=1)

    candidate = lax.cond(jnp.asarray(greedy) != 0, _greedy_branch, _sampled_branch,
                         (greedy_candidate, last_prob))
    return candidate.reshape(B, 1), last_prob

# --- scband reference (transcript-rebuilt; emitter-appended) ---
"""Pipeline reference for scband-candidate-generator-29291676959041 (READ-ONLY COPY).

The authoritative reference and input builder live on the scoring server;
editing this copy changes nothing except your own understanding.
"""

import jax, jax.numpy as jnp
import numpy as np

def setup_inputs(seed: int = 0) -> dict:
    key = jax.random.key(seed)
    k1, _ = jax.random.split(key)
    probas = jax.random.uniform(k1, (32, 8, 100000), dtype=jnp.float32)
    # normalize along vocab so rows are valid probability distributions
    probas = probas / jnp.sum(probas, axis=-1, keepdims=True)
    return {"probas": probas, "greedy": 1}

def reference(probas, greedy):
    batch_size = probas.shape[0]
    last_prob = probas[:, -1, :]
    greedy_candidate = jnp.argmax(last_prob, axis=1)
    # multinomial sampling without replacement, one sample == categorical draw
    key = jax.random.key(42)
    sampled_candidate = jax.random.categorical(key, jnp.log(last_prob + 1e-20), axis=1)
    candidate = jnp.where(greedy != 0, greedy_candidate, sampled_candidate)
    candidate = candidate.reshape(batch_size, 1)
    return (candidate, last_prob)

if __name__ == "__main__":
    import jax
    _d = setup_inputs()
    print(jax.jit(kernel)(*tuple(_d.values())))

</pallas_src>

<mosaic_0001>
#map = affine_map<(d0, d1) -> (0, 0, 0)>
#map1 = affine_map<(d0, d1) -> (0, 0)>
module attributes {stable_mosaic.version = 14 : i64} {
  func.func @sc_kernel(%arg0: i32, %arg1: i32, %arg2: memref<32x8x100000xf32, #tpu.memory_space<hbm>>, %arg3: memref<32x16xi32, #tpu.memory_space<hbm>>, %arg4: memref<32x100000xf32, #tpu.memory_space<hbm>>, %arg5: memref<100000xf32, #tpu.memory_space<vmem>>, %arg6: memref<16xi32, #tpu.memory_space<vmem>>, %arg7: memref<!tpu.dma_semaphore, #tpu.memory_space<semaphore_mem>>, %arg8: memref<!tpu.dma_semaphore, #tpu.memory_space<semaphore_mem>>) attributes {dimension_semantics = [#tpu.dimension_semantics<core_parallel>, #tpu.dimension_semantics<subcore_parallel>], iteration_bounds = array<i64: 2, 16>, scalar_prefetch = 0 : i64, scratch_operands = 4 : i64, tpu.core_type = #tpu.core_type<sc_vector_subcore>, window_params = [{transform_indices = #map}, {transform_indices = #map1}, {transform_indices = #map1}]} {
    %mul3A = arith.constant 2 : i32
    %mul3A_0 = arith.muli %arg1, %mul3A : i32
    %add3A = arith.addi %mul3A_0, %arg0 : i32
    %dma_start3A = arith.constant 7 : i32
    %dma_start3A_1 = arith.constant 0 : i32
    %dma_start3A_2 = tpu.memref_slice %arg2[%add3A, %dma_start3A, %dma_start3A_1] : memref<32x8x100000xf32, #tpu.memory_space<hbm>> -> memref<1x1x100000xf32, #tpu.memory_space<hbm>>
    %dma_start3A_3 = tpu.memref_squeeze %dma_start3A_2 : memref<1x1x100000xf32, #tpu.memory_space<hbm>> -> memref<100000xf32, #tpu.memory_space<hbm>>
    %dma_start3A_4 = arith.constant 0 : i32
    %dma_start3A_5 = tpu.memref_slice %arg2[%add3A, %dma_start3A, %dma_start3A_4] : memref<32x8x100000xf32, #tpu.memory_space<hbm>> -> memref<1x1x100000xf32, #tpu.memory_space<hbm>>
    %dma_start3A_6 = tpu.memref_squeeze %dma_start3A_5 : memref<1x1x100000xf32, #tpu.memory_space<hbm>> -> memref<100000xf32, #tpu.memory_space<hbm>>
    tpu.enqueue_dma source(%dma_start3A_6 : memref<100000xf32, #tpu.memory_space<hbm>>) target(%arg5 : memref<100000xf32, #tpu.memory_space<vmem>>) target_semaphore(%arg7 : memref<!tpu.dma_semaphore, #tpu.memory_space<semaphore_mem>>)
    %dma_wait3A = arith.constant 7 : i32
    %dma_wait3A_7 = arith.constant 0 : i32
    %dma_wait3A_8 = tpu.memref_slice %arg2[%add3A, %dma_wait3A, %dma_wait3A_7] : memref<32x8x100000xf32, #tpu.memory_space<hbm>> -> memref<1x1x100000xf32, #tpu.memory_space<hbm>>
    %dma_wait3A_9 = tpu.memref_squeeze %dma_wait3A_8 : memref<1x1x100000xf32, #tpu.memory_space<hbm>> -> memref<100000xf32, #tpu.memory_space<hbm>>
    %dma_wait3A_10 = arith.constant 0 : i32
    %dma_wait3A_11 = tpu.memref_slice %arg2[%add3A, %dma_wait3A, %dma_wait3A_10] : memref<32x8x100000xf32, #tpu.memory_space<hbm>> -> memref<1x1x100000xf32, #tpu.memory_space<hbm>>
    %dma_wait3A_12 = tpu.memref_squeeze %dma_wait3A_11 : memref<1x1x100000xf32, #tpu.memory_space<hbm>> -> memref<100000xf32, #tpu.memory_space<hbm>>
    tpu.wait_dma2 semaphore(%arg7 : memref<!tpu.dma_semaphore, #tpu.memory_space<semaphore_mem>>) src(%dma_wait3A_12 : memref<100000xf32, #tpu.memory_space<hbm>>) dst(%arg5 : memref<100000xf32, #tpu.memory_space<vmem>>)
    %dma_start3A_13 = arith.constant 0 : i32
    %dma_start3A_14 = tpu.memref_slice %arg4[%add3A, %dma_start3A_13] : memref<32x100000xf32, #tpu.memory_space<hbm>> -> memref<1x100000xf32, #tpu.memory_space<hbm>>
    %dma_start3A_15 = tpu.memref_squeeze %dma_start3A_14 : memref<1x100000xf32, #tpu.memory_space<hbm>> -> memref<100000xf32, #tpu.memory_space<hbm>>
    %dma_start3A_16 = arith.constant 0 : i32
    %dma_start3A_17 = tpu.memref_slice %arg4[%add3A, %dma_start3A_16] : memref<32x100000xf32, #tpu.memory_space<hbm>> -> memref<1x100000xf32, #tpu.memory_space<hbm>>
    %dma_start3A_18 = tpu.memref_squeeze %dma_start3A_17 : memref<1x100000xf32, #tpu.memory_space<hbm>> -> memref<100000xf32, #tpu.memory_space<hbm>>
    tpu.enqueue_dma source(%arg5 : memref<100000xf32, #tpu.memory_space<vmem>>) target(%dma_start3A_18 : memref<100000xf32, #tpu.memory_space<hbm>>) target_semaphore(%arg8 : memref<!tpu.dma_semaphore, #tpu.memory_space<semaphore_mem>>)
    %iota3A = tpu.iota {dimensions = array<i32: 0>} : vector<16xi32>
    %broadcast_in_dim3A = arith.constant 0xFF800000 : f32
    %broadcast_in_dim3A_19 = vector.broadcast %broadcast_in_dim3A : f32 to vector<16xf32>
    %broadcast_in_dim3A_20 = arith.constant 0xFF800000 : f32
    %broadcast_in_dim3A_21 = vector.broadcast %broadcast_in_dim3A_20 : f32 to vector<16xf32>
    %broadcast_in_dim3A_22 = arith.constant 0xFF800000 : f32
    %broadcast_in_dim3A_23 = vector.broadcast %broadcast_in_dim3A_22 : f32 to vector<16xf32>
    %broadcast_in_dim3A_24 = arith.constant 0xFF800000 : f32
    %broadcast_in_dim3A_25 = vector.broadcast %broadcast_in_dim3A_24 : f32 to vector<16xf32>
    %broadcast_in_dim3A_26 = arith.constant 0xFF800000 : f32
    %broadcast_in_dim3A_27 = vector.broadcast %broadcast_in_dim3A_26 : f32 to vector<16xf32>
    %broadcast_in_dim3A_28 = arith.constant 0xFF800000 : f32
    %broadcast_in_dim3A_29 = vector.broadcast %broadcast_in_dim3A_28 : f32 to vector<16xf32>
    %broadcast_in_dim3A_30 = arith.constant 0xFF800000 : f32
    %broadcast_in_dim3A_31 = vector.broadcast %broadcast_in_dim3A_30 : f32 to vector<16xf32>
    %broadcast_in_dim3A_32 = arith.constant 0xFF800000 : f32
    %broadcast_in_dim3A_33 = vector.broadcast %broadcast_in_dim3A_32 : f32 to vector<16xf32>
    %broadcast_in_dim3A_34 = arith.constant 0xFF800000 : f32
    %broadcast_in_dim3A_35 = vector.broadcast %broadcast_in_dim3A_34 : f32 to vector<16xf32>
    %broadcast_in_dim3A_36 = arith.constant 0xFF800000 : f32
    %broadcast_in_dim3A_37 = vector.broadcast %broadcast_in_dim3A_36 : f32 to vector<16xf32>
    %broadcast_in_dim3A_38 = arith.constant 0 : i32
    %broadcast_in_dim3A_39 = vector.broadcast %broadcast_in_dim3A_38 : i32 to vector<16xi32>
    %broadcast_in_dim3A_40 = arith.constant 0 : i32
    %broadcast_in_dim3A_41 = vector.broadcast %broadcast_in_dim3A_40 : i32 to vector<16xi32>
    %broadcast_in_dim3A_42 = arith.constant 0 : i32
    %broadcast_in_dim3A_43 = vector.broadcast %broadcast_in_dim3A_42 : i32 to vector<16xi32>
    %broadcast_in_dim3A_44 = arith.constant 0 : i32
    %broadcast_in_dim3A_45 = vector.broadcast %broadcast_in_dim3A_44 : i32 to vector<16xi32>
    %broadcast_in_dim3A_46 = arith.constant 0 : i32
    %broadcast_in_dim3A_47 = vector.broadcast %broadcast_in_dim3A_46 : i32 to vector<16xi32>
    %broadcast_in_dim3A_48 = arith.constant 0 : i32
    %broadcast_in_dim3A_49 = vector.broadcast %broadcast_in_dim3A_48 : i32 to vector<16xi32>
    %broadcast_in_dim3A_50 = arith.constant 0 : i32
    %broadcast_in_dim3A_51 = vector.broadcast %broadcast_in_dim3A_50 : i32 to vector<16xi32>
    %broadcast_in_dim3A_52 = arith.constant 0 : i32
    %broadcast_in_dim3A_53 = vector.broadcast %broadcast_in_dim3A_52 : i32 to vector<16xi32>
    %broadcast_in_dim3A_54 = arith.constant 0 : i32
    %broadcast_in_dim3A_55 = vector.broadcast %broadcast_in_dim3A_54 : i32 to vector<16xi32>
    %broadcast_in_dim3A_56 = arith.constant 0 : i32
    %broadcast_in_dim3A_57 = vector.broadcast %broadcast_in_dim3A_56 : i32 to vector<16xi32>
    %broadcast_in_dim3A_58 = arith.constant 0 : i32
    %broadcast_in_dim3A_59 = vector.broadcast %broadcast_in_dim3A_58 : i32 to vector<16xi32>
    %scan3A = arith.constant 0 : i32
    %scan3A_60 = arith.constant 624 : i32
    %scan3A_61 = arith.addi %scan3A, %scan3A_60 : i32
    %scan3A_62 = arith.constant 4 : i32
    %scan3A_63:21 = scf.for %scan3A_331 = %scan3A to %scan3A_61 step %scan3A_62 iter_args(%scan3A_332 = %broadcast_in_dim3A_19, %scan3A_333 = %broadcast_in_dim3A_21, %scan3A_334 = %broadcast_in_dim3A_23, %scan3A_335 = %broadcast_in_dim3A_25, %scan3A_336 = %broadcast_in_dim3A_27, %scan3A_337 = %broadcast_in_dim3A_29, %scan3A_338 = %broadcast_in_dim3A_31, %scan3A_339 = %broadcast_in_dim3A_33, %scan3A_340 = %broadcast_in_dim3A_35, %scan3A_341 = %broadcast_in_dim3A_37, %scan3A_342 = %broadcast_in_dim3A_39, %scan3A_343 = %broadcast_in_dim3A_41, %scan3A_344 = %broadcast_in_dim3A_43, %scan3A_345 = %broadcast_in_dim3A_45, %scan3A_346 = %broadcast_in_dim3A_47, %scan3A_347 = %broadcast_in_dim3A_49, %scan3A_348 = %broadcast_in_dim3A_51, %scan3A_349 = %broadcast_in_dim3A_53, %scan3A_350 = %broadcast_in_dim3A_55, %scan3A_351 = %broadcast_in_dim3A_57, %scan3A_352 = %broadcast_in_dim3A_59) -> (vector<16xf32>, vector<16xf32>, vector<16xf32>, vector<16xf32>, vector<16xf32>, vector<16xf32>, vector<16xf32>, vector<16xf32>, vector<16xf32>, vector<16xf32>, vector<16xi32>, vector<16xi32>, vector<16xi32>, vector<16xi32>, vector<16xi32>, vector<16xi32>, vector<16xi32>, vector<16xi32>, vector<16xi32>, vector<16xi32>, vector<16xi32>)  : i32 {
      %mul3A_353 = arith.constant 160 : i32
      %mul3A_354 = arith.muli %scan3A_331, %mul3A_353 : i32
      %add3A_355 = arith.constant 0 : i32
      %add3A_356 = arith.addi %mul3A_354, %add3A_355 : i32
      %get3A_357 = arith.index_cast %add3A_356 : i32 to index
      %get3A_358 = tpu.vector_load %arg5[%get3A_357] {strides = array<i32>} : memref<100000xf32, #tpu.memory_space<vmem>>, vector<16xf32>,
      %get3A_359 = vector.shape_cast %get3A_358 : vector<16xf32> to vector<16xf32>
      %gt3A_360 = arith.cmpf ogt, %get3A_359, %scan3A_332 : vector<16xf32>
      %select_n3A_361 = arith.select %gt3A_360, %get3A_359, %scan3A_332 : vector<16xi1>, vector<16xf32>
      %select_n3A_362 = arith.select %gt3A_360, %scan3A_352, %scan3A_342 : vector<16xi1>, vector<16xi32>
      %mul3A_363 = arith.constant 160 : i32
      %mul3A_364 = arith.muli %scan3A_331, %mul3A_363 : i32
      %add3A_365 = arith.constant 16 : i32
      %add3A_366 = arith.addi %mul3A_364, %add3A_365 : i32
      %get3A_367 = arith.index_cast %add3A_366 : i32 to index
      %get3A_368 = tpu.vector_load %arg5[%get3A_367] {strides = array<i32>} : memref<100000xf32, #tpu.memory_space<vmem>>, vector<16xf32>,
      %get3A_369 = vector.shape_cast %get3A_368 : vector<16xf32> to vector<16xf32>
      %gt3A_370 = arith.cmpf ogt, %get3A_369, %scan3A_333 : vector<16xf32>
      %select_n3A_371 = arith.select %gt3A_370, %get3A_369, %scan3A_333 : vector<16xi1>, vector<16xf32>
      %select_n3A_372 = arith.select %gt3A_370, %scan3A_352, %scan3A_343 : vector<16xi1>, vector<16xi32>
      %mul3A_373 = arith.constant 160 : i32
      %mul3A_374 = arith.muli %scan3A_331, %mul3A_373 : i32
      %add3A_375 = arith.constant 32 : i32
      %add3A_376 = arith.addi %mul3A_374, %add3A_375 : i32
      %get3A_377 = arith.index_cast %add3A_376 : i32 to index
      %get3A_378 = tpu.vector_load %arg5[%get3A_377] {strides = array<i32>} : memref<100000xf32, #tpu.memory_space<vmem>>, vector<16xf32>,
      %get3A_379 = vector.shape_cast %get3A_378 : vector<16xf32> to vector<16xf32>
      %gt3A_380 = arith.cmpf ogt, %get3A_379, %scan3A_334 : vector<16xf32>
      %select_n3A_381 = arith.select %gt3A_380, %get3A_379, %scan3A_334 : vector<16xi1>, vector<16xf32>
      %select_n3A_382 = arith.select %gt3A_380, %scan3A_352, %scan3A_344 : vector<16xi1>, vector<16xi32>
      %mul3A_383 = arith.constant 160 : i32
      %mul3A_384 = arith.muli %scan3A_331, %mul3A_383 : i32
      %add3A_385 = arith.constant 48 : i32
      %add3A_386 = arith.addi %mul3A_384, %add3A_385 : i32
      %get3A_387 = arith.index_cast %add3A_386 : i32 to index
      %get3A_388 = tpu.vector_load %arg5[%get3A_387] {strides = array<i32>} : memref<100000xf32, #tpu.memory_space<vmem>>, vector<16xf32>,
      %get3A_389 = vector.shape_cast %get3A_388 : vector<16xf32> to vector<16xf32>
      %gt3A_390 = arith.cmpf ogt, %get3A_389, %scan3A_335 : vector<16xf32>
      %select_n3A_391 = arith.select %gt3A_390, %get3A_389, %scan3A_335 : vector<16xi1>, vector<16xf32>
      %select_n3A_392 = arith.select %gt3A_390, %scan3A_352, %scan3A_345 : vector<16xi1>, vector<16xi32>
      %mul3A_393 = arith.constant 160 : i32
      %mul3A_394 = arith.muli %scan3A_331, %mul3A_393 : i32
      %add3A_395 = arith.constant 64 : i32
      %add3A_396 = arith.addi %mul3A_394, %add3A_395 : i32
      %get3A_397 = arith.index_cast %add3A_396 : i32 to index
      %get3A_398 = tpu.vector_load %arg5[%get3A_397] {strides = array<i32>} : memref<100000xf32, #tpu.memory_space<vmem>>, vector<16xf32>,
      %get3A_399 = vector.shape_cast %get3A_398 : vector<16xf32> to vector<16xf32>
      %gt3A_400 = arith.cmpf ogt, %get3A_399, %scan3A_336 : vector<16xf32>
      %select_n3A_401 = arith.select %gt3A_400, %get3A_399, %scan3A_336 : vector<16xi1>, vector<16xf32>
      %select_n3A_402 = arith.select %gt3A_400, %scan3A_352, %scan3A_346 : vector<16xi1>, vector<16xi32>
      %mul3A_403 = arith.constant 160 : i32
      %mul3A_404 = arith.muli %scan3A_331, %mul3A_403 : i32
      %add3A_405 = arith.constant 80 : i32
      %add3A_406 = arith.addi %mul3A_404, %add3A_405 : i32
      %get3A_407 = arith.index_cast %add3A_406 : i32 to index
      %get3A_408 = tpu.vector_load %arg5[%get3A_407] {strides = array<i32>} : memref<100000xf32, #tpu.memory_space<vmem>>, vector<16xf32>,
      %get3A_409 = vector.shape_cast %get3A_408 : vector<16xf32> to vector<16xf32>
      %gt3A_410 = arith.cmpf ogt, %get3A_409, %scan3A_337 : vector<16xf32>
      %select_n3A_411 = arith.select %gt3A_410, %get3A_409, %scan3A_337 : vector<16xi1>, vector<16xf32>
      %select_n3A_412 = arith.select %gt3A_410, %scan3A_352, %scan3A_347 : vector<16xi1>, vector<16xi32>
      %mul3A_413 = arith.constant 160 : i32
      %mul3A_414 = arith.muli %scan3A_331, %mul3A_413 : i32
      %add3A_415 = arith.constant 96 : i32
      %add3A_416 = arith.addi %mul3A_414, %add3A_415 : i32
      %get3A_417 = arith.index_cast %add3A_416 : i32 to index
      %get3A_418 = tpu.vector_load %arg5[%get3A_417] {strides = array<i32>} : memref<100000xf32, #tpu.memory_space<vmem>>, vector<16xf32>,
      %get3A_419 = vector.shape_cast %get3A_418 : vector<16xf32> to vector<16xf32>
      %gt3A_420 = arith.cmpf ogt, %get3A_419, %scan3A_338 : vector<16xf32>
      %select_n3A_421 = arith.select %gt3A_420, %get3A_419, %scan3A_338 : vector<16xi1>, vector<16xf32>
      %select_n3A_422 = arith.select %gt3A_420, %scan3A_352, %scan3A_348 : vector<16xi1>, vector<16xi32>
      %mul3A_423 = arith.constant 160 : i32
      %mul3A_424 = arith.muli %scan3A_331, %mul3A_423 : i32
      %add3A_425 = arith.constant 112 : i32
      %add3A_426 = arith.addi %mul3A_424, %add3A_425 : i32
      %get3A_427 = arith.index_cast %add3A_426 : i32 to index
      %get3A_428 = tpu.vector_load %arg5[%get3A_427] {strides = array<i32>} : memref<100000xf32, #tpu.memory_space<vmem>>, vector<16xf32>,
      %get3A_429 = vector.shape_cast %get3A_428 : vector<16xf32> to vector<16xf32>
      %gt3A_430 = arith.cmpf ogt, %get3A_429, %scan3A_339 : vector<16xf32>
      %select_n3A_431 = arith.select %gt3A_430, %get3A_429, %scan3A_339 : vector<16xi1>, vector<16xf32>
      %select_n3A_432 = arith.select %gt3A_430, %scan3A_352, %scan3A_349 : vector<16xi1>, vector<16xi32>
      %mul3A_433 = arith.constant 160 : i32
      %mul3A_434 = arith.muli %scan3A_331, %mul3A_433 : i32
      %add3A_435 = arith.constant 128 : i32
      %add3A_436 = arith.addi %mul3A_434, %add3A_435 : i32
      %get3A_437 = arith.index_cast %add3A_436 : i32 to index
      %get3A_438 = tpu.vector_load %arg5[%get3A_437] {strides = array<i32>} : memref<100000xf32, #tpu.memory_space<vmem>>, vector<16xf32>,
      %get3A_439 = vector.shape_cast %get3A_438 : vector<16xf32> to vector<16xf32>
      %gt3A_440 = arith.cmpf ogt, %get3A_439, %scan3A_340 : vector<16xf32>
      %select_n3A_441 = arith.select %gt3A_440, %get3A_439, %scan3A_340 : vector<16xi1>, vector<16xf32>
      %select_n3A_442 = arith.select %gt3A_440, %scan3A_352, %scan3A_350 : vector<16xi1>, vector<16xi32>
      %mul3A_443 = arith.constant 160 : i32
      %mul3A_444 = arith.muli %scan3A_331, %mul3A_443 : i32
      %add3A_445 = arith.constant 144 : i32
      %add3A_446 = arith.addi %mul3A_444, %add3A_445 : i32
      %get3A_447 = arith.index_cast %add3A_446 : i32 to index
      %get3A_448 = tpu.vector_load %arg5[%get3A_447] {strides = array<i32>} : memref<100000xf32, #tpu.memory_space<vmem>>, vector<16xf32>,
      %get3A_449 = vector.shape_cast %get3A_448 : vector<16xf32> to vector<16xf32>
      %gt3A_450 = arith.cmpf ogt, %get3A_449, %scan3A_341 : vector<16xf32>
      %select_n3A_451 = arith.select %gt3A_450, %get3A_449, %scan3A_341 : vector<16xi1>, vector<16xf32>
      %select_n3A_452 = arith.select %gt3A_450, %scan3A_352, %scan3A_351 : vector<16xi1>, vector<16xi32>
      %add3A_453 = arith.constant 160 : i32
      %add3A_454 = vector.broadcast %add3A_453 : i32 to vector<16xi32>
      %add3A_455 = arith.addi %scan3A_352, %add3A_454 : vector<16xi32>
      %scan3A_456 = arith.constant 1 : i32
      %scan3A_457 = arith.addi %scan3A_331, %scan3A_456 : i32
      %mul3A_458 = arith.constant 160 : i32
      %mul3A_459 = arith.muli %scan3A_457, %mul3A_458 : i32
      %add3A_460 = arith.constant 0 : i32
      %add3A_461 = arith.addi %mul3A_459, %add3A_460 : i32
      %get3A_462 = arith.index_cast %add3A_461 : i32 to index
      %get3A_463 = tpu.vector_load %arg5[%get3A_462] {strides = array<i32>} : memref<100000xf32, #tpu.memory_space<vmem>>, vector<16xf32>,
      %get3A_464 = vector.shape_cast %get3A_463 : vector<16xf32> to vector<16xf32>
      %gt3A_465 = arith.cmpf ogt, %get3A_464, %select_n3A_361 : vector<16xf32>
      %select_n3A_466 = arith.select %gt3A_465, %get3A_464, %select_n3A_361 : vector<16xi1>, vector<16xf32>
      %select_n3A_467 = arith.select %gt3A_465, %add3A_455, %select_n3A_362 : vector<16xi1>, vector<16xi32>
      %mul3A_468 = arith.constant 160 : i32
      %mul3A_469 = arith.muli %scan3A_457, %mul3A_468 : i32
      %add3A_470 = arith.constant 16 : i32
      %add3A_471 = arith.addi %mul3A_469, %add3A_470 : i32
      %get3A_472 = arith.index_cast %add3A_471 : i32 to index
      %get3A_473 = tpu.vector_load %arg5[%get3A_472] {strides = array<i32>} : memref<100000xf32, #tpu.memory_space<vmem>>, vector<16xf32>,
      %get3A_474 = vector.shape_cast %get3A_473 : vector<16xf32> to vector<16xf32>
      %gt3A_475 = arith.cmpf ogt, %get3A_474, %select_n3A_371 : vector<16xf32>
      %select_n3A_476 = arith.select %gt3A_475, %get3A_474, %select_n3A_371 : vector<16xi1>, vector<16xf32>
      %select_n3A_477 = arith.select %gt3A_475, %add3A_455, %select_n3A_372 : vector<16xi1>, vector<16xi32>
      %mul3A_478 = arith.constant 160 : i32
      %mul3A_479 = arith.muli %scan3A_457, %mul3A_478 : i32
      %add3A_480 = arith.constant 32 : i32
      %add3A_481 = arith.addi %mul3A_479, %add3A_480 : i32
      %get3A_482 = arith.index_cast %add3A_481 : i32 to index
      %get3A_483 = tpu.vector_load %arg5[%get3A_482] {strides = array<i32>} : memref<100000xf32, #tpu.memory_space<vmem>>, vector<16xf32>,
      %get3A_484 = vector.shape_cast %get3A_483 : vector<16xf32> to vector<16xf32>
      %gt3A_485 = arith.cmpf ogt, %get3A_484, %select_n3A_381 : vector<16xf32>
      %select_n3A_486 = arith.select %gt3A_485, %get3A_484, %select_n3A_381 : vector<16xi1>, vector<16xf32>
      %select_n3A_487 = arith.select %gt3A_485, %add3A_455, %select_n3A_382 : vector<16xi1>, vector<16xi32>
      %mul3A_488 = arith.constant 160 : i32
      %mul3A_489 = arith.muli %scan3A_457, %mul3A_488 : i32
      %add3A_490 = arith.constant 48 : i32
      %add3A_491 = arith.addi %mul3A_489, %add3A_490 : i32
      %get3A_492 = arith.index_cast %add3A_491 : i32 to index
      %get3A_493 = tpu.vector_load %arg5[%get3A_492] {strides = array<i32>} : memref<100000xf32, #tpu.memory_space<vmem>>, vector<16xf32>,
      %get3A_494 = vector.shape_cast %get3A_493 : vector<16xf32> to vector<16xf32>
      %gt3A_495 = arith.cmpf ogt, %get3A_494, %select_n3A_391 : vector<16xf32>
      %select_n3A_496 = arith.select %gt3A_495, %get3A_494, %select_n3A_391 : vector<16xi1>, vector<16xf32>
      %select_n3A_497 = arith.select %gt3A_495, %add3A_455, %select_n3A_392 : vector<16xi1>, vector<16xi32>
      %mul3A_498 = arith.constant 160 : i32
      %mul3A_499 = arith.muli %scan3A_457, %mul3A_498 : i32
      %add3A_500 = arith.constant 64 : i32
      %add3A_501 = arith.addi %mul3A_499, %add3A_500 : i32
      %get3A_502 = arith.index_cast %add3A_501 : i32 to index
      %get3A_503 = tpu.vector_load %arg5[%get3A_502] {strides = array<i32>} : memref<100000xf32, #tpu.memory_space<vmem>>, vector<16xf32>,
      %get3A_504 = vector.shape_cast %get3A_503 : vector<16xf32> to vector<16xf32>
      %gt3A_505 = arith.cmpf ogt, %get3A_504, %select_n3A_401 : vector<16xf32>
      %select_n3A_506 = arith.select %gt3A_505, %get3A_504, %select_n3A_401 : vector<16xi1>, vector<16xf32>
      %select_n3A_507 = arith.select %gt3A_505, %add3A_455, %select_n3A_402 : vector<16xi1>, vector<16xi32>
      %mul3A_508 = arith.constant 160 : i32
      %mul3A_509 = arith.muli %scan3A_457, %mul3A_508 : i32
      %add3A_510 = arith.constant 80 : i32
      %add3A_511 = arith.addi %mul3A_509, %add3A_510 : i32
      %get3A_512 = arith.index_cast %add3A_511 : i32 to index
      %get3A_513 = tpu.vector_load %arg5[%get3A_512] {strides = array<i32>} : memref<100000xf32, #tpu.memory_space<vmem>>, vector<16xf32>,
      %get3A_514 = vector.shape_cast %get3A_513 : vector<16xf32> to vector<16xf32>
      %gt3A_515 = arith.cmpf ogt, %get3A_514, %select_n3A_411 : vector<16xf32>
      %select_n3A_516 = arith.select %gt3A_515, %get3A_514, %select_n3A_411 : vector<16xi1>, vector<16xf32>
      %select_n3A_517 = arith.select %gt3A_515, %add3A_455, %select_n3A_412 : vector<16xi1>, vector<16xi32>
      %mul3A_518 = arith.constant 160 : i32
      %mul3A_519 = arith.muli %scan3A_457, %mul3A_518 : i32
      %add3A_520 = arith.constant 96 : i32
      %add3A_521 = arith.addi %mul3A_519, %add3A_520 : i32
      %get3A_522 = arith.index_cast %add3A_521 : i32 to index
      %get3A_523 = tpu.vector_load %arg5[%get3A_522] {strides = array<i32>} : memref<100000xf32, #tpu.memory_space<vmem>>, vector<16xf32>,
      %get3A_524 = vector.shape_cast %get3A_523 : vector<16xf32> to vector<16xf32>
      %gt3A_525 = arith.cmpf ogt, %get3A_524, %select_n3A_421 : vector<16xf32>
      %select_n3A_526 = arith.select %gt3A_525, %get3A_524, %select_n3A_421 : vector<16xi1>, vector<16xf32>
      %select_n3A_527 = arith.select %gt3A_525, %add3A_455, %select_n3A_422 : vector<16xi1>, vector<16xi32>
      %mul3A_528 = arith.constant 160 : i32
      %mul3A_529 = arith.muli %scan3A_457, %mul3A_528 : i32
      %add3A_530 = arith.constant 112 : i32
      %add3A_531 = arith.addi %mul3A_529, %add3A_530 : i32
      %get3A_532 = arith.index_cast %add3A_531 : i32 to index
      %get3A_533 = tpu.vector_load %arg5[%get3A_532] {strides = array<i32>} : memref<100000xf32, #tpu.memory_space<vmem>>, vector<16xf32>,
      %get3A_534 = vector.shape_cast %get3A_533 : vector<16xf32> to vector<16xf32>
      %gt3A_535 = arith.cmpf ogt, %get3A_534, %select_n3A_431 : vector<16xf32>
      %select_n3A_536 = arith.select %gt3A_535, %get3A_534, %select_n3A_431 : vector<16xi1>, vector<16xf32>
      %select_n3A_537 = arith.select %gt3A_535, %add3A_455, %select_n3A_432 : vector<16xi1>, vector<16xi32>
      %mul3A_538 = arith.constant 160 : i32
      %mul3A_539 = arith.muli %scan3A_457, %mul3A_538 : i32
      %add3A_540 = arith.constant 128 : i32
      %add3A_541 = arith.addi %mul3A_539, %add3A_540 : i32
      %get3A_542 = arith.index_cast %add3A_541 : i32 to index
      %get3A_543 = tpu.vector_load %arg5[%get3A_542] {strides = array<i32>} : memref<100000xf32, #tpu.memory_space<vmem>>, vector<16xf32>,
      %get3A_544 = vector.shape_cast %get3A_543 : vector<16xf32> to vector<16xf32>
      %gt3A_545 = arith.cmpf ogt, %get3A_544, %select_n3A_441 : vector<16xf32>
      %select_n3A_546 = arith.select %gt3A_545, %get3A_544, %select_n3A_441 : vector<16xi1>, vector<16xf32>
      %select_n3A_547 = arith.select %gt3A_545, %add3A_455, %select_n3A_442 : vector<16xi1>, vector<16xi32>
      %mul3A_548 = arith.constant 160 : i32
      %mul3A_549 = arith.muli %scan3A_457, %mul3A_548 : i32
      %add3A_550 = arith.constant 144 : i32
      %add3A_551 = arith.addi %mul3A_549, %add3A_550 : i32
      %get3A_552 = arith.index_cast %add3A_551 : i32 to index
      %get3A_553 = tpu.vector_load %arg5[%get3A_552] {strides = array<i32>} : memref<100000xf32, #tpu.memory_space<vmem>>, vector<16xf32>,
      %get3A_554 = vector.shape_cast %get3A_553 : vector<16xf32> to vector<16xf32>
      %gt3A_555 = arith.cmpf ogt, %get3A_554, %select_n3A_451 : vector<16xf32>
      %select_n3A_556 = arith.select %gt3A_555, %get3A_554, %select_n3A_451 : vector<16xi1>, vector<16xf32>
      %select_n3A_557 = arith.select %gt3A_555, %add3A_455, %select_n3A_452 : vector<16xi1>, vector<16xi32>
      %add3A_558 = arith.constant 160 : i32
      %add3A_559 = vector.broadcast %add3A_558 : i32 to vector<16xi32>
      %add3A_560 = arith.addi %add3A_455, %add3A_559 : vector<16xi32>
      %scan3A_561 = arith.constant 2 : i32
      %scan3A_562 = arith.addi %scan3A_331, %scan3A_561 : i32
      %mul3A_563 = arith.constant 160 : i32
      %mul3A_564 = arith.muli %scan3A_562, %mul3A_563 : i32
      %add3A_565 = arith.constant 0 : i32
      %add3A_566 = arith.addi %mul3A_564, %add3A_565 : i32
      %get3A_567 = arith.index_cast %add3A_566 : i32 to index
      %get3A_568 = tpu.vector_load %arg5[%get3A_567] {strides = array<i32>} : memref<100000xf32, #tpu.memory_space<vmem>>, vector<16xf32>,
      %get3A_569 = vector.shape_cast %get3A_568 : vector<16xf32> to vector<16xf32>
      %gt3A_570 = arith.cmpf ogt, %get3A_569, %select_n3A_466 : vector<16xf32>
      %select_n3A_571 = arith.select %gt3A_570, %get3A_569, %select_n3A_466 : vector<16xi1>, vector<16xf32>
      %select_n3A_572 = arith.select %gt3A_570, %add3A_560, %select_n3A_467 : vector<16xi1>, vector<16xi32>
      %mul3A_573 = arith.constant 160 : i32
      %mul3A_574 = arith.muli %scan3A_562, %mul3A_573 : i32
      %add3A_575 = arith.constant 16 : i32
      %add3A_576 = arith.addi %mul3A_574, %add3A_575 : i32
      %get3A_577 = arith.index_cast %add3A_576 : i32 to index
      %get3A_578 = tpu.vector_load %arg5[%get3A_577] {strides = array<i32>} : memref<100000xf32, #tpu.memory_space<vmem>>, vector<16xf32>,
      %get3A_579 = vector.shape_cast %get3A_578 : vector<16xf32> to vector<16xf32>
      %gt3A_580 = arith.cmpf ogt, %get3A_579, %select_n3A_476 : vector<16xf32>
      %select_n3A_581 = arith.select %gt3A_580, %get3A_579, %select_n3A_476 : vector<16xi1>, vector<16xf32>
      %select_n3A_582 = arith.select %gt3A_580, %add3A_560, %select_n3A_477 : vector<16xi1>, vector<16xi32>
      %mul3A_583 = arith.constant 160 : i32
      %mul3A_584 = arith.muli %scan3A_562, %mul3A_583 : i32
      %add3A_585 = arith.constant 32 : i32
      %add3A_586 = arith.addi %mul3A_584, %add3A_585 : i32
      %get3A_587 = arith.index_cast %add3A_586 : i32 to index
      %get3A_588 = tpu.vector_load %arg5[%get3A_587] {strides = array<i32>} : memref<100000xf32, #tpu.memory_space<vmem>>, vector<16xf32>,
      %get3A_589 = vector.shape_cast %get3A_588 : vector<16xf32> to vector<16xf32>
      %gt3A_590 = arith.cmpf ogt, %get3A_589, %select_n3A_486 : vector<16xf32>
      %select_n3A_591 = arith.select %gt3A_590, %get3A_589, %select_n3A_486 : vector<16xi1>, vector<16xf32>
      %select_n3A_592 = arith.select %gt3A_590, %add3A_560, %select_n3A_487 : vector<16xi1>, vector<16xi32>
      %mul3A_593 = arith.constant 160 : i32
      %mul3A_594 = arith.muli %scan3A_562, %mul3A_593 : i32
      %add3A_595 = arith.constant 48 : i32
      %add3A_596 = arith.addi %mul3A_594, %add3A_595 : i32
      %get3A_597 = arith.index_cast %add3A_596 : i32 to index
      %get3A_598 = tpu.vector_load %arg5[%get3A_597] {strides = array<i32>} : memref<100000xf32, #tpu.memory_space<vmem>>, vector<16xf32>,
      %get3A_599 = vector.shape_cast %get3A_598 : vector<16xf32> to vector<16xf32>
      %gt3A_600 = arith.cmpf ogt, %get3A_599, %select_n3A_496 : vector<16xf32>
      %select_n3A_601 = arith.select %gt3A_600, %get3A_599, %select_n3A_496 : vector<16xi1>, vector<16xf32>
      %select_n3A_602 = arith.select %gt3A_600, %add3A_560, %select_n3A_497 : vector<16xi1>, vector<16xi32>
      %mul3A_603 = arith.constant 160 : i32
      %mul3A_604 = arith.muli %scan3A_562, %mul3A_603 : i32
      %add3A_605 = arith.constant 64 : i32
      %add3A_606 = arith.addi %mul3A_604, %add3A_605 : i32
      %get3A_607 = arith.index_cast %add3A_606 : i32 to index
      %get3A_608 = tpu.vector_load %arg5[%get3A_607] {strides = array<i32>} : memref<100000xf32, #tpu.memory_space<vmem>>, vector<16xf32>,
      %get3A_609 = vector.shape_cast %get3A_608 : vector<16xf32> to vector<16xf32>
      %gt3A_610 = arith.cmpf ogt, %get3A_609, %select_n3A_506 : vector<16xf32>
      %select_n3A_611 = arith.select %gt3A_610, %get3A_609, %select_n3A_506 : vector<16xi1>, vector<16xf32>
      %select_n3A_612 = arith.select %gt3A_610, %add3A_560, %select_n3A_507 : vector<16xi1>, vector<16xi32>
      %mul3A_613 = arith.constant 160 : i32
      %mul3A_614 = arith.muli %scan3A_562, %mul3A_613 : i32
      %add3A_615 = arith.constant 80 : i32
      %add3A_616 = arith.addi %mul3A_614, %add3A_615 : i32
      %get3A_617 = arith.index_cast %add3A_616 : i32 to index
      %get3A_618 = tpu.vector_load %arg5[%get3A_617] {strides = array<i32>} : memref<100000xf32, #tpu.memory_space<vmem>>, vector<16xf32>,
      %get3A_619 = vector.shape_cast %get3A_618 : vector<16xf32> to vector<16xf32>
      %gt3A_620 = arith.cmpf ogt, %get3A_619, %select_n3A_516 : vector<16xf32>
      %select_n3A_621 = arith.select %gt3A_620, %get3A_619, %select_n3A_516 : vector<16xi1>, vector<16xf32>
      %select_n3A_622 = arith.select %gt3A_620, %add3A_560, %select_n3A_517 : vector<16xi1>, vector<16xi32>
      %mul3A_623 = arith.constant 160 : i32
      %mul3A_624 = arith.muli %scan3A_562, %mul3A_623 : i32
      %add3A_625 = arith.constant 96 : i32
      %add3A_626 = arith.addi %mul3A_624, %add3A_625 : i32
      %get3A_627 = arith.index_cast %add3A_626 : i32 to index
      %get3A_628 = tpu.vector_load %arg5[%get3A_627] {strides = array<i32>} : memref<100000xf32, #tpu.memory_space<vmem>>, vector<16xf32>,
      %get3A_629 = vector.shape_cast %get3A_628 : vector<16xf32> to vector<16xf32>
      %gt3A_630 = arith.cmpf ogt, %get3A_629, %select_n3A_526 : vector<16xf32>
      %select_n3A_631 = arith.select %gt3A_630, %get3A_629, %select_n3A_526 : vector<16xi1>, vector<16xf32>
      %select_n3A_632 = arith.select %gt3A_630, %add3A_560, %select_n3A_527 : vector<16xi1>, vector<16xi32>
      %mul3A_633 = arith.constant 160 : i32
      %mul3A_634 = arith.muli %scan3A_562, %mul3A_633 : i32
      %add3A_635 = arith.constant 112 : i32
      %add3A_636 = arith.addi %mul3A_634, %add3A_635 : i32
      %get3A_637 = arith.index_cast %add3A_636 : i32 to index
      %get3A_638 = tpu.vector_load %arg5[%get3A_637] {strides = array<i32>} : memref<100000xf32, #tpu.memory_space<vmem>>, vector<16xf32>,
      %get3A_639 = vector.shape_cast %get3A_638 : vector<16xf32> to vector<16xf32>
      %gt3A_640 = arith.cmpf ogt, %get3A_639, %select_n3A_536 : vector<16xf32>
      %select_n3A_641 = arith.select %gt3A_640, %get3A_639, %select_n3A_536 : vector<16xi1>, vector<16xf32>
      %select_n3A_642 = arith.select %gt3A_640, %add3A_560, %select_n3A_537 : vector<16xi1>, vector<16xi32>
      %mul3A_643 = arith.constant 160 : i32
      %mul3A_644 = arith.muli %scan3A_562, %mul3A_643 : i32
      %add3A_645 = arith.constant 128 : i32
      %add3A_646 = arith.addi %mul3A_644, %add3A_645 : i32
      %get3A_647 = arith.index_cast %add3A_646 : i32 to index
      %get3A_648 = tpu.vector_load %arg5[%get3A_647] {strides = array<i32>} : memref<100000xf32, #tpu.memory_space<vmem>>, vector<16xf32>,
      %get3A_649 = vector.shape_cast %get3A_648 : vector<16xf32> to vector<16xf32>
      %gt3A_650 = arith.cmpf ogt, %get3A_649, %select_n3A_546 : vector<16xf32>
      %select_n3A_651 = arith.select %gt3A_650, %get3A_649, %select_n3A_546 : vector<16xi1>, vector<16xf32>
      %select_n3A_652 = arith.select %gt3A_650, %add3A_560, %select_n3A_547 : vector<16xi1>, vector<16xi32>
      %mul3A_653 = arith.constant 160 : i32
      %mul3A_654 = arith.muli %scan3A_562, %mul3A_653 : i32
      %add3A_655 = arith.constant 144 : i32
      %add3A_656 = arith.addi %mul3A_654, %add3A_655 : i32
      %get3A_657 = arith.index_cast %add3A_656 : i32 to index
      %get3A_658 = tpu.vector_load %arg5[%get3A_657] {strides = array<i32>} : memref<100000xf32, #tpu.memory_space<vmem>>, vector<16xf32>,
      %get3A_659 = vector.shape_cast %get3A_658 : vector<16xf32> to vector<16xf32>
      %gt3A_660 = arith.cmpf ogt, %get3A_659, %select_n3A_556 : vector<16xf32>
      %select_n3A_661 = arith.select %gt3A_660, %get3A_659, %select_n3A_556 : vector<16xi1>, vector<16xf32>
      %select_n3A_662 = arith.select %gt3A_660, %add3A_560, %select_n3A_557 : vector<16xi1>, vector<16xi32>
      %add3A_663 = arith.constant 160 : i32
      %add3A_664 = vector.broadcast %add3A_663 : i32 to vector<16xi32>
      %add3A_665 = arith.addi %add3A_560, %add3A_664 : vector<16xi32>
      %scan3A_666 = arith.constant 3 : i32
      %scan3A_667 = arith.addi %scan3A_331, %scan3A_666 : i32
      %mul3A_668 = arith.constant 160 : i32
      %mul3A_669 = arith.muli %scan3A_667, %mul3A_668 : i32
      %add3A_670 = arith.constant 0 : i32
      %add3A_671 = arith.addi %mul3A_669, %add3A_670 : i32
      %get3A_672 = arith.index_cast %add3A_671 : i32 to index
      %get3A_673 = tpu.vector_load %arg5[%get3A_672] {strides = array<i32>} : memref<100000xf32, #tpu.memory_space<vmem>>, vector<16xf32>,
      %get3A_674 = vector.shape_cast %get3A_673 : vector<16xf32> to vector<16xf32>
      %gt3A_675 = arith.cmpf ogt, %get3A_674, %select_n3A_571 : vector<16xf32>
      %select_n3A_676 = arith.select %gt3A_675, %get3A_674, %select_n3A_571 : vector<16xi1>, vector<16xf32>
      %select_n3A_677 = arith.select %gt3A_675, %add3A_665, %select_n3A_572 : vector<16xi1>, vector<16xi32>
      %mul3A_678 = arith.constant 160 : i32
      %mul3A_679 = arith.muli %scan3A_667, %mul3A_678 : i32
      %add3A_680 = arith.constant 16 : i32
      %add3A_681 = arith.addi %mul3A_679, %add3A_680 : i32
      %get3A_682 = arith.index_cast %add3A_681 : i32 to index
      %get3A_683 = tpu.vector_load %arg5[%get3A_682] {strides = array<i32>} : memref<100000xf32, #tpu.memory_space<vmem>>, vector<16xf32>,
      %get3A_684 = vector.shape_cast %get3A_683 : vector<16xf32> to vector<16xf32>
      %gt3A_685 = arith.cmpf ogt, %get3A_684, %select_n3A_581 : vector<16xf32>
      %select_n3A_686 = arith.select %gt3A_685, %get3A_684, %select_n3A_581 : vector<16xi1>, vector<16xf32>
      %select_n3A_687 = arith.select %gt3A_685, %add3A_665, %select_n3A_582 : vector<16xi1>, vector<16xi32>
      %mul3A_688 = arith.constant 160 : i32
      %mul3A_689 = arith.muli %scan3A_667, %mul3A_688 : i32
      %add3A_690 = arith.constant 32 : i32
      %add3A_691 = arith.addi %mul3A_689, %add3A_690 : i32
      %get3A_692 = arith.index_cast %add3A_691 : i32 to index
      %get3A_693 = tpu.vector_load %arg5[%get3A_692] {strides = array<i32>} : memref<100000xf32, #tpu.memory_space<vmem>>, vector<16xf32>,
      %get3A_694 = vector.shape_cast %get3A_693 : vector<16xf32> to vector<16xf32>
      %gt3A_695 = arith.cmpf ogt, %get3A_694, %select_n3A_591 : vector<16xf32>
      %select_n3A_696 = arith.select %gt3A_695, %get3A_694, %select_n3A_591 : vector<16xi1>, vector<16xf32>
      %select_n3A_697 = arith.select %gt3A_695, %add3A_665, %select_n3A_592 : vector<16xi1>, vector<16xi32>
      %mul3A_698 = arith.constant 160 : i32
      %mul3A_699 = arith.muli %scan3A_667, %mul3A_698 : i32
      %add3A_700 = arith.constant 48 : i32
      %add3A_701 = arith.addi %mul3A_699, %add3A_700 : i32
      %get3A_702 = arith.index_cast %add3A_701 : i32 to index
      %get3A_703 = tpu.vector_load %arg5[%get3A_702] {strides = array<i32>} : memref<100000xf32, #tpu.memory_space<vmem>>, vector<16xf32>,
      %get3A_704 = vector.shape_cast %get3A_703 : vector<16xf32> to vector<16xf32>
      %gt3A_705 = arith.cmpf ogt, %get3A_704, %select_n3A_601 : vector<16xf32>
      %select_n3A_706 = arith.select %gt3A_705, %get3A_704, %select_n3A_601 : vector<16xi1>, vector<16xf32>
      %select_n3A_707 = arith.select %gt3A_705, %add3A_665, %select_n3A_602 : vector<16xi1>, vector<16xi32>
      %mul3A_708 = arith.constant 160 : i32
      %mul3A_709 = arith.muli %scan3A_667, %mul3A_708 : i32
      %add3A_710 = arith.constant 64 : i32
      %add3A_711 = arith.addi %mul3A_709, %add3A_710 : i32
      %get3A_712 = arith.index_cast %add3A_711 : i32 to index
      %get3A_713 = tpu.vector_load %arg5[%get3A_712] {strides = array<i32>} : memref<100000xf32, #tpu.memory_space<vmem>>, vector<16xf32>,
      %get3A_714 = vector.shape_cast %get3A_713 : vector<16xf32> to vector<16xf32>
      %gt3A_715 = arith.cmpf ogt, %get3A_714, %select_n3A_611 : vector<16xf32>
      %select_n3A_716 = arith.select %gt3A_715, %get3A_714, %select_n3A_611 : vector<16xi1>, vector<16xf32>
      %select_n3A_717 = arith.select %gt3A_715, %add3A_665, %select_n3A_612 : vector<16xi1>, vector<16xi32>
      %mul3A_718 = arith.constant 160 : i32
      %mul3A_719 = arith.muli %scan3A_667, %mul3A_718 : i32
      %add3A_720 = arith.constant 80 : i32
      %add3A_721 = arith.addi %mul3A_719, %add3A_720 : i32
      %get3A_722 = arith.index_cast %add3A_721 : i32 to index
      %get3A_723 = tpu.vector_load %arg5[%get3A_722] {strides = array<i32>} : memref<100000xf32, #tpu.memory_space<vmem>>, vector<16xf32>,
      %get3A_724 = vector.shape_cast %get3A_723 : vector<16xf32> to vector<16xf32>
      %gt3A_725 = arith.cmpf ogt, %get3A_724, %select_n3A_621 : vector<16xf32>
      %select_n3A_726 = arith.select %gt3A_725, %get3A_724, %select_n3A_621 : vector<16xi1>, vector<16xf32>
      %select_n3A_727 = arith.select %gt3A_725, %add3A_665, %select_n3A_622 : vector<16xi1>, vector<16xi32>
      %mul3A_728 = arith.constant 160 : i32
      %mul3A_729 = arith.muli %scan3A_667, %mul3A_728 : i32
      %add3A_730 = arith.constant 96 : i32
      %add3A_731 = arith.addi %mul3A_729, %add3A_730 : i32
      %get3A_732 = arith.index_cast %add3A_731 : i32 to index
      %get3A_733 = tpu.vector_load %arg5[%get3A_732] {strides = array<i32>} : memref<100000xf32, #tpu.memory_space<vmem>>, vector<16xf32>,
      %get3A_734 = vector.shape_cast %get3A_733 : vector<16xf32> to vector<16xf32>
      %gt3A_735 = arith.cmpf ogt, %get3A_734, %select_n3A_631 : vector<16xf32>
      %select_n3A_736 = arith.select %gt3A_735, %get3A_734, %select_n3A_631 : vector<16xi1>, vector<16xf32>
      %select_n3A_737 = arith.select %gt3A_735, %add3A_665, %select_n3A_632 : vector<16xi1>, vector<16xi32>
      %mul3A_738 = arith.constant 160 : i32
      %mul3A_739 = arith.muli %scan3A_667, %mul3A_738 : i32
      %add3A_740 = arith.constant 112 : i32
      %add3A_741 = arith.addi %mul3A_739, %add3A_740 : i32
      %get3A_742 = arith.index_cast %add3A_741 : i32 to index
      %get3A_743 = tpu.vector_load %arg5[%get3A_742] {strides = array<i32>} : memref<100000xf32, #tpu.memory_space<vmem>>, vector<16xf32>,
      %get3A_744 = vector.shape_cast %get3A_743 : vector<16xf32> to vector<16xf32>
      %gt3A_745 = arith.cmpf ogt, %get3A_744, %select_n3A_641 : vector<16xf32>
      %select_n3A_746 = arith.select %gt3A_745, %get3A_744, %select_n3A_641 : vector<16xi1>, vector<16xf32>
      %select_n3A_747 = arith.select %gt3A_745, %add3A_665, %select_n3A_642 : vector<16xi1>, vector<16xi32>
      %mul3A_748 = arith.constant 160 : i32
      %mul3A_749 = arith.muli %scan3A_667, %mul3A_748 : i32
      %add3A_750 = arith.constant 128 : i32
      %add3A_751 = arith.addi %mul3A_749, %add3A_750 : i32
      %get3A_752 = arith.index_cast %add3A_751 : i32 to index
      %get3A_753 = tpu.vector_load %arg5[%get3A_752] {strides = array<i32>} : memref<100000xf32, #tpu.memory_space<vmem>>, vector<16xf32>,
      %get3A_754 = vector.shape_cast %get3A_753 : vector<16xf32> to vector<16xf32>
      %gt3A_755 = arith.cmpf ogt, %get3A_754, %select_n3A_651 : vector<16xf32>
      %select_n3A_756 = arith.select %gt3A_755, %get3A_754, %select_n3A_651 : vector<16xi1>, vector<16xf32>
      %select_n3A_757 = arith.select %gt3A_755, %add3A_665, %select_n3A_652 : vector<16xi1>, vector<16xi32>
      %mul3A_758 = arith.constant 160 : i32
      %mul3A_759 = arith.muli %scan3A_667, %mul3A_758 : i32
      %add3A_760 = arith.constant 144 : i32
      %add3A_761 = arith.addi %mul3A_759, %add3A_760 : i32
      %get3A_762 = arith.index_cast %add3A_761 : i32 to index
      %get3A_763 = tpu.vector_load %arg5[%get3A_762] {strides = array<i32>} : memref<100000xf32, #tpu.memory_space<vmem>>, vector<16xf32>,
      %get3A_764 = vector.shape_cast %get3A_763 : vector<16xf32> to vector<16xf32>
      %gt3A_765 = arith.cmpf ogt, %get3A_764, %select_n3A_661 : vector<16xf32>
      %select_n3A_766 = arith.select %gt3A_765, %get3A_764, %select_n3A_661 : vector<16xi1>, vector<16xf32>
      %select_n3A_767 = arith.select %gt3A_765, %add3A_665, %select_n3A_662 : vector<16xi1>, vector<16xi32>
      %add3A_768 = arith.constant 160 : i32
      %add3A_769 = vector.broadcast %add3A_768 : i32 to vector<16xi32>
      %add3A_770 = arith.addi %add3A_665, %add3A_769 : vector<16xi32>
      scf.yield %select_n3A_676, %select_n3A_686, %select_n3A_696, %select_n3A_706, %select_n3A_716, %select_n3A_726, %select_n3A_736, %select_n3A_746, %select_n3A_756, %select_n3A_766, %select_n3A_677, %select_n3A_687, %select_n3A_697, %select_n3A_707, %select_n3A_717, %select_n3A_727, %select_n3A_737, %select_n3A_747, %select_n3A_757, %select_n3A_767, %add3A_770 : vector<16xf32>, vector<16xf32>, vector<16xf32>, vector<16xf32>, vector<16xf32>, vector<16xf32>, vector<16xf32>, vector<16xf32>, vector<16xf32>, vector<16xf32>, vector<16xi32>, vector<16xi32>, vector<16xi32>, vector<16xi32>, vector<16xi32>, vector<16xi32>, vector<16xi32>, vector<16xi32>, vector<16xi32>, vector<16xi32>, vector<16xi32>
    }
    %scan3A_64 = arith.constant 624 : i32
    %scan3A_65 = arith.addi %scan3A, %scan3A_64 : i32
    %mul3A_66 = arith.constant 160 : i32
    %mul3A_67 = arith.muli %scan3A_65, %mul3A_66 : i32
    %add3A_68 = arith.constant 0 : i32
    %add3A_69 = arith.addi %mul3A_67, %add3A_68 : i32
    %get3A = arith.index_cast %add3A_69 : i32 to index
    %get3A_70 = tpu.vector_load %arg5[%get3A] {strides = array<i32>} : memref<100000xf32, #tpu.memory_space<vmem>>, vector<16xf32>,
    %get3A_71 = vector.shape_cast %get3A_70 : vector<16xf32> to vector<16xf32>
    %gt3A = arith.cmpf ogt, %get3A_71, %scan3A_63#0 : vector<16xf32>
    %select_n3A = arith.select %gt3A, %get3A_71, %scan3A_63#0 : vector<16xi1>, vector<16xf32>
    %select_n3A_72 = arith.select %gt3A, %scan3A_63#20, %scan3A_63#10 : vector<16xi1>, vector<16xi32>
    %mul3A_73 = arith.constant 160 : i32
    %mul3A_74 = arith.muli %scan3A_65, %mul3A_73 : i32
    %add3A_75 = arith.constant 16 : i32
    %add3A_76 = arith.addi %mul3A_74, %add3A_75 : i32
    %get3A_77 = arith.index_cast %add3A_76 : i32 to index
    %get3A_78 = tpu.vector_load %arg5[%get3A_77] {strides = array<i32>} : memref<100000xf32, #tpu.memory_space<vmem>>, vector<16xf32>,
    %get3A_79 = vector.shape_cast %get3A_78 : vector<16xf32> to vector<16xf32>
    %gt3A_80 = arith.cmpf ogt, %get3A_79, %scan3A_63#1 : vector<16xf32>
    %select_n3A_81 = arith.select %gt3A_80, %get3A_79, %scan3A_63#1 : vector<16xi1>, vector<16xf32>
    %select_n3A_82 = arith.select %gt3A_80, %scan3A_63#20, %scan3A_63#11 : vector<16xi1>, vector<16xi32>
    %mul3A_83 = arith.constant 160 : i32
    %mul3A_84 = arith.muli %scan3A_65, %mul3A_83 : i32
    %add3A_85 = arith.constant 32 : i32
    %add3A_86 = arith.addi %mul3A_84, %add3A_85 : i32
    %get3A_87 = arith.index_cast %add3A_86 : i32 to index
    %get3A_88 = tpu.vector_load %arg5[%get3A_87] {strides = array<i32>} : memref<100000xf32, #tpu.memory_space<vmem>>, vector<16xf32>,
    %get3A_89 = vector.shape_cast %get3A_88 : vector<16xf32> to vector<16xf32>
    %gt3A_90 = arith.cmpf ogt, %get3A_89, %scan3A_63#2 : vector<16xf32>
    %select_n3A_91 = arith.select %gt3A_90, %get3A_89, %scan3A_63#2 : vector<16xi1>, vector<16xf32>
    %select_n3A_92 = arith.select %gt3A_90, %scan3A_63#20, %scan3A_63#12 : vector<16xi1>, vector<16xi32>
    %mul3A_93 = arith.constant 160 : i32
    %mul3A_94 = arith.muli %scan3A_65, %mul3A_93 : i32
    %add3A_95 = arith.constant 48 : i32
    %add3A_96 = arith.addi %mul3A_94, %add3A_95 : i32
    %get3A_97 = arith.index_cast %add3A_96 : i32 to index
    %get3A_98 = tpu.vector_load %arg5[%get3A_97] {strides = array<i32>} : memref<100000xf32, #tpu.memory_space<vmem>>, vector<16xf32>,
    %get3A_99 = vector.shape_cast %get3A_98 : vector<16xf32> to vector<16xf32>
    %gt3A_100 = arith.cmpf ogt, %get3A_99, %scan3A_63#3 : vector<16xf32>
    %select_n3A_101 = arith.select %gt3A_100, %get3A_99, %scan3A_63#3 : vector<16xi1>, vector<16xf32>
    %select_n3A_102 = arith.select %gt3A_100, %scan3A_63#20, %scan3A_63#13 : vector<16xi1>, vector<16xi32>
    %mul3A_103 = arith.constant 160 : i32
    %mul3A_104 = arith.muli %scan3A_65, %mul3A_103 : i32
    %add3A_105 = arith.constant 64 : i32
    %add3A_106 = arith.addi %mul3A_104, %add3A_105 : i32
    %get3A_107 = arith.index_cast %add3A_106 : i32 to index
    %get3A_108 = tpu.vector_load %arg5[%get3A_107] {strides = array<i32>} : memref<100000xf32, #tpu.memory_space<vmem>>, vector<16xf32>,
    %get3A_109 = vector.shape_cast %get3A_108 : vector<16xf32> to vector<16xf32>
    %gt3A_110 = arith.cmpf ogt, %get3A_109, %scan3A_63#4 : vector<16xf32>
    %select_n3A_111 = arith.select %gt3A_110, %get3A_109, %scan3A_63#4 : vector<16xi1>, vector<16xf32>
    %select_n3A_112 = arith.select %gt3A_110, %scan3A_63#20, %scan3A_63#14 : vector<16xi1>, vector<16xi32>
    %mul3A_113 = arith.constant 160 : i32
    %mul3A_114 = arith.muli %scan3A_65, %mul3A_113 : i32
    %add3A_115 = arith.constant 80 : i32
    %add3A_116 = arith.addi %mul3A_114, %add3A_115 : i32
    %get3A_117 = arith.index_cast %add3A_116 : i32 to index
    %get3A_118 = tpu.vector_load %arg5[%get3A_117] {strides = array<i32>} : memref<100000xf32, #tpu.memory_space<vmem>>, vector<16xf32>,
    %get3A_119 = vector.shape_cast %get3A_118 : vector<16xf32> to vector<16xf32>
    %gt3A_120 = arith.cmpf ogt, %get3A_119, %scan3A_63#5 : vector<16xf32>
    %select_n3A_121 = arith.select %gt3A_120, %get3A_119, %scan3A_63#5 : vector<16xi1>, vector<16xf32>
    %select_n3A_122 = arith.select %gt3A_120, %scan3A_63#20, %scan3A_63#15 : vector<16xi1>, vector<16xi32>
    %mul3A_123 = arith.constant 160 : i32
    %mul3A_124 = arith.muli %scan3A_65, %mul3A_123 : i32
    %add3A_125 = arith.constant 96 : i32
    %add3A_126 = arith.addi %mul3A_124, %add3A_125 : i32
    %get3A_127 = arith.index_cast %add3A_126 : i32 to index
    %get3A_128 = tpu.vector_load %arg5[%get3A_127] {strides = array<i32>} : memref<100000xf32, #tpu.memory_space<vmem>>, vector<16xf32>,
    %get3A_129 = vector.shape_cast %get3A_128 : vector<16xf32> to vector<16xf32>
    %gt3A_130 = arith.cmpf ogt, %get3A_129, %scan3A_63#6 : vector<16xf32>
    %select_n3A_131 = arith.select %gt3A_130, %get3A_129, %scan3A_63#6 : vector<16xi1>, vector<16xf32>
    %select_n3A_132 = arith.select %gt3A_130, %scan3A_63#20, %scan3A_63#16 : vector<16xi1>, vector<16xi32>
    %mul3A_133 = arith.constant 160 : i32
    %mul3A_134 = arith.muli %scan3A_65, %mul3A_133 : i32
    %add3A_135 = arith.constant 112 : i32
    %add3A_136 = arith.addi %mul3A_134, %add3A_135 : i32
    %get3A_137 = arith.index_cast %add3A_136 : i32 to index
    %get3A_138 = tpu.vector_load %arg5[%get3A_137] {strides = array<i32>} : memref<100000xf32, #tpu.memory_space<vmem>>, vector<16xf32>,
    %get3A_139 = vector.shape_cast %get3A_138 : vector<16xf32> to vector<16xf32>
    %gt3A_140 = arith.cmpf ogt, %get3A_139, %scan3A_63#7 : vector<16xf32>
    %select_n3A_141 = arith.select %gt3A_140, %get3A_139, %scan3A_63#7 : vector<16xi1>, vector<16xf32>
    %select_n3A_142 = arith.select %gt3A_140, %scan3A_63#20, %scan3A_63#17 : vector<16xi1>, vector<16xi32>
    %mul3A_143 = arith.constant 160 : i32
    %mul3A_144 = arith.muli %scan3A_65, %mul3A_143 : i32
    %add3A_145 = arith.constant 128 : i32
    %add3A_146 = arith.addi %mul3A_144, %add3A_145 : i32
    %get3A_147 = arith.index_cast %add3A_146 : i32 to index
    %get3A_148 = tpu.vector_load %arg5[%get3A_147] {strides = array<i32>} : memref<100000xf32, #tpu.memory_space<vmem>>, vector<16xf32>,
    %get3A_149 = vector.shape_cast %get3A_148 : vector<16xf32> to vector<16xf32>
    %gt3A_150 = arith.cmpf ogt, %get3A_149, %scan3A_63#8 : vector<16xf32>
    %select_n3A_151 = arith.select %gt3A_150, %get3A_149, %scan3A_63#8 : vector<16xi1>, vector<16xf32>
    %select_n3A_152 = arith.select %gt3A_150, %scan3A_63#20, %scan3A_63#18 : vector<16xi1>, vector<16xi32>
    %mul3A_153 = arith.constant 160 : i32
    %mul3A_154 = arith.muli %scan3A_65, %mul3A_153 : i32
    %add3A_155 = arith.constant 144 : i32
    %add3A_156 = arith.addi %mul3A_154, %add3A_155 : i32
    %get3A_157 = arith.index_cast %add3A_156 : i32 to index
    %get3A_158 = tpu.vector_load %arg5[%get3A_157] {strides = array<i32>} : memref<100000xf32, #tpu.memory_space<vmem>>, vector<16xf32>,
    %get3A_159 = vector.shape_cast %get3A_158 : vector<16xf32> to vector<16xf32>
    %gt3A_160 = arith.cmpf ogt, %get3A_159, %scan3A_63#9 : vector<16xf32>
    %select_n3A_161 = arith.select %gt3A_160, %get3A_159, %scan3A_63#9 : vector<16xi1>, vector<16xf32>
    %select_n3A_162 = arith.select %gt3A_160, %scan3A_63#20, %scan3A_63#19 : vector<16xi1>, vector<16xi32>
    %add3A_163 = arith.constant 160 : i32
    %add3A_164 = vector.broadcast %add3A_163 : i32 to vector<16xi32>
    %add3A_165 = arith.addi %scan3A_63#20, %add3A_164 : vector<16xi32>
    %scan3A_166 = arith.constant 625 : i32
    %add3A_167 = arith.constant 0 : i32
    %add3A_168 = vector.broadcast %add3A_167 : i32 to vector<16xi32>
    %add3A_169 = arith.addi %select_n3A_72, %add3A_168 : vector<16xi32>
    %add3A_170 = arith.addi %add3A_169, %iota3A : vector<16xi32>
    %add3A_171 = arith.constant 16 : i32
    %add3A_172 = vector.broadcast %add3A_171 : i32 to vector<16xi32>
    %add3A_173 = arith.addi %select_n3A_82, %add3A_172 : vector<16xi32>
    %add3A_174 = arith.addi %add3A_173, %iota3A : vector<16xi32>
    %add3A_175 = arith.constant 32 : i32
    %add3A_176 = vector.broadcast %add3A_175 : i32 to vector<16xi32>
    %add3A_177 = arith.addi %select_n3A_92, %add3A_176 : vector<16xi32>
    %add3A_178 = arith.addi %add3A_177, %iota3A : vector<16xi32>
    %add3A_179 = arith.constant 48 : i32
    %add3A_180 = vector.broadcast %add3A_179 : i32 to vector<16xi32>
    %add3A_181 = arith.addi %select_n3A_102, %add3A_180 : vector<16xi32>
    %add3A_182 = arith.addi %add3A_181, %iota3A : vector<16xi32>
    %add3A_183 = arith.constant 64 : i32
    %add3A_184 = vector.broadcast %add3A_183 : i32 to vector<16xi32>
    %add3A_185 = arith.addi %select_n3A_112, %add3A_184 : vector<16xi32>
    %add3A_186 = arith.addi %add3A_185, %iota3A : vector<16xi32>
    %add3A_187 = arith.constant 80 : i32
    %add3A_188 = vector.broadcast %add3A_187 : i32 to vector<16xi32>
    %add3A_189 = arith.addi %select_n3A_122, %add3A_188 : vector<16xi32>
    %add3A_190 = arith.addi %add3A_189, %iota3A : vector<16xi32>
    %add3A_191 = arith.constant 96 : i32
    %add3A_192 = vector.broadcast %add3A_191 : i32 to vector<16xi32>
    %add3A_193 = arith.addi %select_n3A_132, %add3A_192 : vector<16xi32>
    %add3A_194 = arith.addi %add3A_193, %iota3A : vector<16xi32>
    %add3A_195 = arith.constant 112 : i32
    %add3A_196 = vector.broadcast %add3A_195 : i32 to vector<16xi32>
    %add3A_197 = arith.addi %select_n3A_142, %add3A_196 : vector<16xi32>
    %add3A_198 = arith.addi %add3A_197, %iota3A : vector<16xi32>
    %add3A_199 = arith.constant 128 : i32
    %add3A_200 = vector.broadcast %add3A_199 : i32 to vector<16xi32>
    %add3A_201 = arith.addi %select_n3A_152, %add3A_200 : vector<16xi32>
    %add3A_202 = arith.addi %add3A_201, %iota3A : vector<16xi32>
    %add3A_203 = arith.constant 144 : i32
    %add3A_204 = vector.broadcast %add3A_203 : i32 to vector<16xi32>
    %add3A_205 = arith.addi %select_n3A_162, %add3A_204 : vector<16xi32>
    %add3A_206 = arith.addi %add3A_205, %iota3A : vector<16xi32>
    %max3A = arith.maximumf %select_n3A, %select_n3A_81 : vector<16xf32>
    %max3A_207 = arith.maximumf %max3A, %select_n3A_91 : vector<16xf32>
    %max3A_208 = arith.maximumf %max3A_207, %select_n3A_101 : vector<16xf32>
    %max3A_209 = arith.maximumf %max3A_208, %select_n3A_111 : vector<16xf32>
    %max3A_210 = arith.maximumf %max3A_209, %select_n3A_121 : vector<16xf32>
    %max3A_211 = arith.maximumf %max3A_210, %select_n3A_131 : vector<16xf32>
    %max3A_212 = arith.maximumf %max3A_211, %select_n3A_141 : vector<16xf32>
    %max3A_213 = arith.maximumf %max3A_212, %select_n3A_151 : vector<16xf32>
    %max3A_214 = arith.maximumf %max3A_213, %select_n3A_161 : vector<16xf32>
    %eq3A = arith.cmpf oeq, %select_n3A, %max3A_214 : vector<16xf32>
    %jit3A = arith.constant 2147483647 : i32
    %broadcast_in_dim3A_215 = vector.broadcast %jit3A : i32 to vector<16xi32>
    %select_n3A_216 = arith.select %eq3A, %add3A_170, %broadcast_in_dim3A_215 : vector<16xi1>, vector<16xi32>
    %min3A = arith.constant 2147483647 : i32
    %min3A_217 = vector.broadcast %min3A : i32 to vector<16xi32>
    %min3A_218 = arith.minsi %min3A_217, %select_n3A_216 : vector<16xi32>
    %eq3A_219 = arith.cmpf oeq, %select_n3A_81, %max3A_214 : vector<16xf32>
    %jit3A_220 = arith.constant 2147483647 : i32
    %broadcast_in_dim3A_221 = vector.broadcast %jit3A_220 : i32 to vector<16xi32>
    %select_n3A_222 = arith.select %eq3A_219, %add3A_174, %broadcast_in_dim3A_221 : vector<16xi1>, vector<16xi32>
    %min3A_223 = arith.minsi %min3A_218, %select_n3A_222 : vector<16xi32>
    %eq3A_224 = arith.cmpf oeq, %select_n3A_91, %max3A_214 : vector<16xf32>
    %jit3A_225 = arith.constant 2147483647 : i32
    %broadcast_in_dim3A_226 = vector.broadcast %jit3A_225 : i32 to vector<16xi32>
    %select_n3A_227 = arith.select %eq3A_224, %add3A_178, %broadcast_in_dim3A_226 : vector<16xi1>, vector<16xi32>
    %min3A_228 = arith.minsi %min3A_223, %select_n3A_227 : vector<16xi32>
    %eq3A_229 = arith.cmpf oeq, %select_n3A_101, %max3A_214 : vector<16xf32>
    %jit3A_230 = arith.constant 2147483647 : i32
    %broadcast_in_dim3A_231 = vector.broadcast %jit3A_230 : i32 to vector<16xi32>
    %select_n3A_232 = arith.select %eq3A_229, %add3A_182, %broadcast_in_dim3A_231 : vector<16xi1>, vector<16xi32>
    %min3A_233 = arith.minsi %min3A_228, %select_n3A_232 : vector<16xi32>
    %eq3A_234 = arith.cmpf oeq, %select_n3A_111, %max3A_214 : vector<16xf32>
    %jit3A_235 = arith.constant 2147483647 : i32
    %broadcast_in_dim3A_236 = vector.broadcast %jit3A_235 : i32 to vector<16xi32>
    %select_n3A_237 = arith.select %eq3A_234, %add3A_186, %broadcast_in_dim3A_236 : vector<16xi1>, vector<16xi32>
    %min3A_238 = arith.minsi %min3A_233, %select_n3A_237 : vector<16xi32>
    %eq3A_239 = arith.cmpf oeq, %select_n3A_121, %max3A_214 : vector<16xf32>
    %jit3A_240 = arith.constant 2147483647 : i32
    %broadcast_in_dim3A_241 = vector.broadcast %jit3A_240 : i32 to vector<16xi32>
    %select_n3A_242 = arith.select %eq3A_239, %add3A_190, %broadcast_in_dim3A_241 : vector<16xi1>, vector<16xi32>
    %min3A_243 = arith.minsi %min3A_238, %select_n3A_242 : vector<16xi32>
    %eq3A_244 = arith.cmpf oeq, %select_n3A_131, %max3A_214 : vector<16xf32>
    %jit3A_245 = arith.constant 2147483647 : i32
    %broadcast_in_dim3A_246 = vector.broadcast %jit3A_245 : i32 to vector<16xi32>
    %select_n3A_247 = arith.select %eq3A_244, %add3A_194, %broadcast_in_dim3A_246 : vector<16xi1>, vector<16xi32>
    %min3A_248 = arith.minsi %min3A_243, %select_n3A_247 : vector<16xi32>
    %eq3A_249 = arith.cmpf oeq, %select_n3A_141, %max3A_214 : vector<16xf32>
    %jit3A_250 = arith.constant 2147483647 : i32
    %broadcast_in_dim3A_251 = vector.broadcast %jit3A_250 : i32 to vector<16xi32>
    %select_n3A_252 = arith.select %eq3A_249, %add3A_198, %broadcast_in_dim3A_251 : vector<16xi1>, vector<16xi32>
    %min3A_253 = arith.minsi %min3A_248, %select_n3A_252 : vector<16xi32>
    %eq3A_254 = arith.cmpf oeq, %select_n3A_151, %max3A_214 : vector<16xf32>
    %jit3A_255 = arith.constant 2147483647 : i32
    %broadcast_in_dim3A_256 = vector.broadcast %jit3A_255 : i32 to vector<16xi32>
    %select_n3A_257 = arith.select %eq3A_254, %add3A_202, %broadcast_in_dim3A_256 : vector<16xi1>, vector<16xi32>
    %min3A_258 = arith.minsi %min3A_253, %select_n3A_257 : vector<16xi32>
    %eq3A_259 = arith.cmpf oeq, %select_n3A_161, %max3A_214 : vector<16xf32>
    %jit3A_260 = arith.constant 2147483647 : i32
    %broadcast_in_dim3A_261 = vector.broadcast %jit3A_260 : i32 to vector<16xi32>
    %select_n3A_262 = arith.select %eq3A_259, %add3A_206, %broadcast_in_dim3A_261 : vector<16xi1>, vector<16xi32>
    %min3A_263 = arith.minsi %min3A_258, %select_n3A_262 : vector<16xi32>
    %xor3A = arith.constant 1 : i32
    %xor3A_264 = vector.broadcast %xor3A : i32 to vector<16xi32>
    %xor3A_265 = arith.xori %iota3A, %xor3A_264 : vector<16xi32>
    %broadcast_in_dim3A_266 = vector.shape_cast %xor3A_265 : vector<16xi32> to vector<16x1xi32>
    %gather3A = vector.shape_cast %broadcast_in_dim3A_266 : vector<16x1xi32> to vector<16xi32>
    %gather3A_267 = tpu.dynamic_gather %max3A_214[%gather3A] in [0] : vector<16xf32>, vector<16xi32> -> vector<16xf32>
    %max3A_268 = arith.maximumf %max3A_214, %gather3A_267 : vector<16xf32>
    %xor3A_269 = arith.constant 2 : i32
    %xor3A_270 = vector.broadcast %xor3A_269 : i32 to vector<16xi32>
    %xor3A_271 = arith.xori %iota3A, %xor3A_270 : vector<16xi32>
    %broadcast_in_dim3A_272 = vector.shape_cast %xor3A_271 : vector<16xi32> to vector<16x1xi32>
    %gather3A_273 = vector.shape_cast %broadcast_in_dim3A_272 : vector<16x1xi32> to vector<16xi32>
    %gather3A_274 = tpu.dynamic_gather %max3A_268[%gather3A_273] in [0] : vector<16xf32>, vector<16xi32> -> vector<16xf32>
    %max3A_275 = arith.maximumf %max3A_268, %gather3A_274 : vector<16xf32>
    %xor3A_276 = arith.constant 4 : i32
    %xor3A_277 = vector.broadcast %xor3A_276 : i32 to vector<16xi32>
    %xor3A_278 = arith.xori %iota3A, %xor3A_277 : vector<16xi32>
    %broadcast_in_dim3A_279 = vector.shape_cast %xor3A_278 : vector<16xi32> to vector<16x1xi32>
    %gather3A_280 = vector.shape_cast %broadcast_in_dim3A_279 : vector<16x1xi32> to vector<16xi32>
    %gather3A_281 = tpu.dynamic_gather %max3A_275[%gather3A_280] in [0] : vector<16xf32>, vector<16xi32> -> vector<16xf32>
    %max3A_282 = arith.maximumf %max3A_275, %gather3A_281 : vector<16xf32>
    %xor3A_283 = arith.constant 8 : i32
    %xor3A_284 = vector.broadcast %xor3A_283 : i32 to vector<16xi32>
    %xor3A_285 = arith.xori %iota3A, %xor3A_284 : vector<16xi32>
    %broadcast_in_dim3A_286 = vector.shape_cast %xor3A_285 : vector<16xi32> to vector<16x1xi32>
    %gather3A_287 = vector.shape_cast %broadcast_in_dim3A_286 : vector<16x1xi32> to vector<16xi32>
    %gather3A_288 = tpu.dynamic_gather %max3A_282[%gather3A_287] in [0] : vector<16xf32>, vector<16xi32> -> vector<16xf32>
    %max3A_289 = arith.maximumf %max3A_282, %gather3A_288 : vector<16xf32>
    %eq3A_290 = arith.cmpf oeq, %max3A_214, %max3A_289 : vector<16xf32>
    %jit3A_291 = arith.constant 2147483647 : i32
    %broadcast_in_dim3A_292 = vector.broadcast %jit3A_291 : i32 to vector<16xi32>
    %select_n3A_293 = arith.select %eq3A_290, %min3A_263, %broadcast_in_dim3A_292 : vector<16xi1>, vector<16xi32>
    %xor3A_294 = arith.constant 1 : i32
    %xor3A_295 = vector.broadcast %xor3A_294 : i32 to vector<16xi32>
    %xor3A_296 = arith.xori %iota3A, %xor3A_295 : vector<16xi32>
    %broadcast_in_dim3A_297 = vector.shape_cast %xor3A_296 : vector<16xi32> to vector<16x1xi32>
    %gather3A_298 = vector.shape_cast %broadcast_in_dim3A_297 : vector<16x1xi32> to vector<16xi32>
    %gather3A_299 = tpu.dynamic_gather %select_n3A_293[%gather3A_298] in [0] : vector<16xi32>, vector<16xi32> -> vector<16xi32>
    %min3A_300 = arith.minsi %select_n3A_293, %gather3A_299 : vector<16xi32>
    %xor3A_301 = arith.constant 2 : i32
    %xor3A_302 = vector.broadcast %xor3A_301 : i32 to vector<16xi32>
    %xor3A_303 = arith.xori %iota3A, %xor3A_302 : vector<16xi32>
    %broadcast_in_dim3A_304 = vector.shape_cast %xor3A_303 : vector<16xi32> to vector<16x1xi32>
    %gather3A_305 = vector.shape_cast %broadcast_in_dim3A_304 : vector<16x1xi32> to vector<16xi32>
    %gather3A_306 = tpu.dynamic_gather %min3A_300[%gather3A_305] in [0] : vector<16xi32>, vector<16xi32> -> vector<16xi32>
    %min3A_307 = arith.minsi %min3A_300, %gather3A_306 : vector<16xi32>
    %xor3A_308 = arith.constant 4 : i32
    %xor3A_309 = vector.broadcast %xor3A_308 : i32 to vector<16xi32>
    %xor3A_310 = arith.xori %iota3A, %xor3A_309 : vector<16xi32>
    %broadcast_in_dim3A_311 = vector.shape_cast %xor3A_310 : vector<16xi32> to vector<16x1xi32>
    %gather3A_312 = vector.shape_cast %broadcast_in_dim3A_311 : vector<16x1xi32> to vector<16xi32>
    %gather3A_313 = tpu.dynamic_gather %min3A_307[%gather3A_312] in [0] : vector<16xi32>, vector<16xi32> -> vector<16xi32>
    %min3A_314 = arith.minsi %min3A_307, %gather3A_313 : vector<16xi32>
    %xor3A_315 = arith.constant 8 : i32
    %xor3A_316 = vector.broadcast %xor3A_315 : i32 to vector<16xi32>
    %xor3A_317 = arith.xori %iota3A, %xor3A_316 : vector<16xi32>
    %broadcast_in_dim3A_318 = vector.shape_cast %xor3A_317 : vector<16xi32> to vector<16x1xi32>
    %gather3A_319 = vector.shape_cast %broadcast_in_dim3A_318 : vector<16x1xi32> to vector<16xi32>
    %gather3A_320 = tpu.dynamic_gather %min3A_314[%gather3A_319] in [0] : vector<16xi32>, vector<16xi32> -> vector<16xi32>
    %min3A_321 = arith.minsi %min3A_314, %gather3A_320 : vector<16xi32>
    %swap3A = arith.constant 0 : index
    %swap3A_322 = tpu.vector_load %arg6[%swap3A] {strides = array<i32>} : memref<16xi32, #tpu.memory_space<vmem>>, vector<16xi32>,
    %swap3A_323 = vector.shape_cast %swap3A_322 : vector<16xi32> to vector<16xi32>
    %swap3A_324 = vector.shape_cast %min3A_321 : vector<16xi32> to vector<16xi32>
    tpu.vector_store %arg6[%swap3A], %swap3A_324 {strides = array<i32>} : memref<16xi32, #tpu.memory_space<vmem>>, vector<16xi32>,
    "tpu.region"() ({
      %run_scoped3A = tpu.sem_alloc : memref<!tpu.dma_semaphore, #tpu.memory_space<semaphore_mem>>
      %dma_start3A_331 = arith.constant 0 : i32
      %dma_start3A_332 = tpu.memref_slice %arg3[%add3A, %dma_start3A_331] : memref<32x16xi32, #tpu.memory_space<hbm>> -> memref<1x16xi32, #tpu.memory_space<hbm>>
      %dma_start3A_333 = tpu.memref_squeeze %dma_start3A_332 : memref<1x16xi32, #tpu.memory_space<hbm>> -> memref<16xi32, #tpu.memory_space<hbm>>
      %dma_start3A_334 = arith.constant 0 : i32
      %dma_start3A_335 = tpu.memref_slice %arg3[%add3A, %dma_start3A_334] : memref<32x16xi32, #tpu.memory_space<hbm>> -> memref<1x16xi32, #tpu.memory_space<hbm>>
      %dma_start3A_336 = tpu.memref_squeeze %dma_start3A_335 : memref<1x16xi32, #tpu.memory_space<hbm>> -> memref<16xi32, #tpu.memory_space<hbm>>
      tpu.enqueue_dma source(%arg6 : memref<16xi32, #tpu.memory_space<vmem>>) target(%dma_start3A_336 : memref<16xi32, #tpu.memory_space<hbm>>) target_semaphore(%run_scoped3A : memref<!tpu.dma_semaphore, #tpu.memory_space<semaphore_mem>>)
      %dma_wait3A_337 = arith.constant 0 : i32
      %dma_wait3A_338 = tpu.memref_slice %arg3[%add3A, %dma_wait3A_337] : memref<32x16xi32, #tpu.memory_space<hbm>> -> memref<1x16xi32, #tpu.memory_space<hbm>>
      %dma_wait3A_339 = tpu.memref_squeeze %dma_wait3A_338 : memref<1x16xi32, #tpu.memory_space<hbm>> -> memref<16xi32, #tpu.memory_space<hbm>>
      %dma_wait3A_340 = arith.constant 0 : i32
      %dma_wait3A_341 = tpu.memref_slice %arg3[%add3A, %dma_wait3A_340] : memref<32x16xi32, #tpu.memory_space<hbm>> -> memref<1x16xi32, #tpu.memory_space<hbm>>
      %dma_wait3A_342 = tpu.memref_squeeze %dma_wait3A_341 : memref<1x16xi32, #tpu.memory_space<hbm>> -> memref<16xi32, #tpu.memory_space<hbm>>
      tpu.wait_dma2 semaphore(%run_scoped3A : memref<!tpu.dma_semaphore, #tpu.memory_space<semaphore_mem>>) src(%arg6 : memref<16xi32, #tpu.memory_space<vmem>>) dst(%dma_wait3A_342 : memref<16xi32, #tpu.memory_space<hbm>>)
      tpu.yield
    }) : () -> ()
    %dma_wait3A_325 = arith.constant 0 : i32
    %dma_wait3A_326 = tpu.memref_slice %arg4[%add3A, %dma_wait3A_325] : memref<32x100000xf32, #tpu.memory_space<hbm>> -> memref<1x100000xf32, #tpu.memory_space<hbm>>
    %dma_wait3A_327 = tpu.memref_squeeze %dma_wait3A_326 : memref<1x100000xf32, #tpu.memory_space<hbm>> -> memref<100000xf32, #tpu.memory_space<hbm>>
    %dma_wait3A_328 = arith.constant 0 : i32
    %dma_wait3A_329 = tpu.memref_slice %arg4[%add3A, %dma_wait3A_328] : memref<32x100000xf32, #tpu.memory_space<hbm>> -> memref<1x100000xf32, #tpu.memory_space<hbm>>
    %dma_wait3A_330 = tpu.memref_squeeze %dma_wait3A_329 : memref<1x100000xf32, #tpu.memory_space<hbm>> -> memref<100000xf32, #tpu.memory_space<hbm>>
    tpu.wait_dma2 semaphore(%arg8 : memref<!tpu.dma_semaphore, #tpu.memory_space<semaphore_mem>>) src(%arg5 : memref<100000xf32, #tpu.memory_space<vmem>>) dst(%dma_wait3A_330 : memref<100000xf32, #tpu.memory_space<hbm>>)
    return
  }
}

</mosaic_0001>

<sc_bundles>
// kernel: kernel.3.cloned.1.call-start
scs
__scs_entry_jumppad:
0x0: {  	(pc) =	sbr.rel $0x88, $3  }
0x1: {  	(tag) =	ssettag $0x0;
	lr =	simm.s32 $0x1  }
0x2: {  	[smem:$0x3F9F] =	sst lr;
	_ =	strace $0xD0000000  }
0x3: {  	_ = 	snop  }
0x4: {  	_ = 	snop  }
0x5: {  	_ = 	snop  }
0x6: {  	_ = 	snop  }
0x7: {  	_ = 	snop  }
__scs_overlays_trampoline_lowered:
0x8: {  	[smem:$0x3FAE] =	sst s0  }
0x9: {  	[smem:$0x3FAF] =	sst s1  }
0xa: {  	[smem:$0x3FB0] =	sst s2  }
0xb: {  	[smem:$0x3FB1] =	sst s3  }
0xc: {  	[smem:$0x3FB2] =	sst s4  }
0xd: {  	[smem:$0x3FB3] =	sst s5  }
0xe: {  	[smem:$0x3FB4] =	sst s6  }
0xf: {  	[smem:$0x3FB5] =	sst s7  }
0x10: {  	[smem:$0x3FB6] =	sst s8  }
0x11: {  	[smem:$0x3FB7] =	sst s9;
	s0 =	simm.s32 @!p0 $0x0  }
0x12: {  	s1 =	sld [smem:$0x3F9D];
	s0 =	simm.s32 @p0 $0x1  }
0x13: {  	[smem:$0x3FB8] =	sst s0;
	s0 =	simm.s32 @!p1 $0x0  }
0x14: {  	s2 =	sld [smem:$0x3F9C];
	s0 =	simm.s32 @p1 $0x1  }
0x15: {  	[smem:$0x3FB9] =	sst s0;
	s0 =	simm.s32 @!p2 $0x0  }
0x16: {  	s3 =	sld [smem:$0x3FDB];
	s0 =	simm.s32 @p2 $0x1  }
0x17: {  	s4 =	simm.s32 $0x1BF5;
	[smem:$0x3FBB] =	sst s0  }
0x18: {  	s0 =	sld [smem:$0x3F9E];
	_ =	swait.ge [sflag:s4], $0x0  }
0x19: {  	s7 =	sld [smem:$0x3F9F]  }
0x1a: {  	s8 =	sadd.s32 $0xFFFFE003, lr  }
0x1b: {  	s9 =	sadd.s32 $0xFFFFFEF7, lr;
	s5 =	simm.s32 $0xFFFFFFFF;
	p2 =	slt.u32 s8, $0xFFFFF086  }
0x1c: {  	p1 =	slt.u32 s9, $0xF7A;
	s5 =	simm.s32 @!p2 $0x0  }
0x1d: {  	s5 =	simm.s32 @p1 $0x1;
	p0 =	seq.s32 s7, s2  }
0x1e: {  	s7 =	smul.u32 @!p0 $0xF7A, s2;
	p2 =	seq.s32 @!p0 s5, $0x0  }
0x1f: {  	s9 =	smul.u32 $0xF7A, s1;
	s8 =	simm.s32 @!p0 $0x1BF5;
	p2 =	por !p2, p0  }
0x20: {  	[sflag:s8] =	ssyncset.s32 @!p0 $0xFFFFF086;
	s6 =	sadd.s32 @!p0 s3, s7;
	s7 =	simm.s32 @!p0 $0x108  }
0x21: {  	s3 =	sadd.s32 s3, s9;
	s6 =	sadd.s32 @!p0 $0x88, s6;
	s7 =	simm.s32 @p2 $0x1082  }
0x22: {  	[simem:s7], [sflag:s8] =	dma.local @!p0 [hbm:s6], $0xF7A  }
0x23: {  	s9 =	sor.u32 $0xD0000000, s2;
	s6 =	simm.s32 $0x108;
	_ =	swait.ge @!p0 [sflag:s8], $0x0  }
0x24: {  	s3 =	sadd.s32 $0x88, s3;
	s6 =	simm.s32 @!p1 $0x1082;
	[sflag:s4] =	ssyncset.s32 $0xFFFFF086  }
0x25: {  	[simem:s6], [sflag:s4] =	dma.local [hbm:s3], $0xF7A  }
0x26: {  	[smem:$0x3F9F] =	sst s1;
	(tag) =	ssettag s2;
	_ =	strace s9  }
0x27: {  	s1 =	sld [smem:$0x3FAF]  }
0x28: {  	s2 =	sld [smem:$0x3FB0]  }
0x29: {  	s4 =	sld [smem:$0x3FB2]  }
0x2a: {  	p0 =	seq.s32 s5, $0x0;
	s5 =	sld [smem:$0x3FB3]  }
0x2b: {  	s6 =	sld [smem:$0x3FB4]  }
0x2c: {  	s7 =	sld [smem:$0x3FB5]  }
0x2d: {  	s3 =	simm.s32 $0x108;
	s8 =	sld [smem:$0x3FB6]  }
0x2e: {  	s3 =	simm.s32 @!p0 $0x1082;
	s9 =	sld [smem:$0x3FB7]  }
0x2f: {  	lr =	sadd.s32 s0, s3;
	s0 =	sld [smem:$0x3FAE]  }
0x30: {  	s3 =	sld [smem:$0x3FB1]  }
0x31: {  	[smem:$0x3FBA] =	sst s10  }
0x32: {  	s10 =	sld [smem:$0x3FB8];
	_ =	sdelay $0x3  }
0x33: {  	p0 =	seq.s32 s10, $0x1;
	s10 =	sld [smem:$0x3FBA];
	_ =	sdelay $0x3  }
0x34: {  	[smem:$0x3FBA] =	sst s10  }
0x35: {  	s10 =	sld [smem:$0x3FB9];
	_ =	sdelay $0x3  }
0x36: {  	p1 =	seq.s32 s10, $0x1;
	s10 =	sld [smem:$0x3FBA];
	_ =	sdelay $0x3  }
0x37: {  	[smem:$0x3FBA] =	sst s10  }
0x38: {  	s10 =	sld [smem:$0x3FBB]  }
0x39: {  	_ = 	snop;
	(pc) =	sbr.ind lr, $3  }
0x3a: {  	_ = 	snop  }
0x3b: {  	_ = 	snop  }
0x3c: {  	p2 =	seq.s32 s10, $0x1;
	s10 =	sld [smem:$0x3FBA]  }
0x3d: {  	_ =	shalt  }
0x3e: {  	_ =	shalt  }
0x3f: {  	_ =	shalt  }
0x40: {  	_ =	shalt  }
0x41: {  	_ =	shalt  }
0x42: {  	_ =	shalt  }
0x43: {  	_ =	shalt  }
0x44: {  	_ =	shalt  }
0x45: {  	_ =	shalt  }
0x46: {  	_ =	shalt  }
0x47: {  	_ =	shalt  }
0x48: {  	_ =	shalt  }
0x49: {  	_ =	shalt  }
0x4a: {  	_ =	shalt  }
0x4b: {  	_ =	shalt  }
0x4c: {  	_ =	shalt  }
0x4d: {  	_ =	shalt  }
0x4e: {  	_ =	shalt  }
0x4f: {  	_ =	shalt  }
0x50: {  	_ =	shalt  }
0x51: {  	_ =	shalt  }
0x52: {  	_ =	shalt  }
0x53: {  	_ =	shalt  }
0x54: {  	_ =	shalt  }
0x55: {  	_ =	shalt  }
0x56: {  	_ =	shalt  }
0x57: {  	_ =	shalt  }
0x58: {  	_ =	shalt  }
0x59: {  	_ =	shalt  }
0x5a: {  	_ =	shalt  }
0x5b: {  	_ =	shalt  }
0x5c: {  	_ =	shalt  }
0x5d: {  	_ =	shalt  }
0x5e: {  	_ =	shalt  }
0x5f: {  	_ =	shalt  }
0x60: {  	_ =	shalt  }
0x61: {  	_ =	shalt  }
0x62: {  	_ =	shalt  }
0x63: {  	_ =	shalt  }
0x64: {  	_ =	shalt  }
0x65: {  	_ =	shalt  }
0x66: {  	_ =	shalt  }
0x67: {  	_ =	shalt  }
0x68: {  	_ =	shalt  }
0x69: {  	_ =	shalt  }
0x6a: {  	_ =	shalt  }
0x6b: {  	_ =	shalt  }
0x6c: {  	_ =	shalt  }
0x6d: {  	_ =	shalt  }
0x6e: {  	_ =	shalt  }
0x6f: {  	_ =	shalt  }
0x70: {  	_ =	shalt  }
0x71: {  	_ =	shalt  }
0x72: {  	_ =	shalt  }
0x73: {  	_ =	shalt  }
0x74: {  	_ =	shalt  }
0x75: {  	_ =	shalt  }
0x76: {  	_ =	shalt  }
0x77: {  	_ =	shalt  }
0x78: {  	_ =	shalt  }
0x79: {  	_ =	shalt  }
0x7a: {  	_ =	shalt  }
0x7b: {  	_ =	shalt  }
0x7c: {  	_ =	shalt  }
0x7d: {  	_ =	shalt  }
0x7e: {  	_ =	shalt  }
0x7f: {  	_ =	shalt  }
0x80: {  	_ =	shalt  }
0x81: {  	_ =	shalt  }
0x82: {  	_ =	shalt  }
0x83: {  	_ =	shalt  }
0x84: {  	_ =	shalt  }
0x85: {  	_ =	shalt  }
0x86: {  	_ =	shalt  }
0x87: {  	_ =	shalt  }
.Lfunc_end0:
.L_simem_size_0:
called_computation_lowered:
.L_overlay_start_0:
0x88: {  	s2 =	sld [smem:$0x3FD9]  }
0x89: {  	s3 =	sld [smem:$0x3FFE];
	_ =	sdelay $0x1  }
0x8a: {  	s1 =	srdreg.scid  }
0x8b: {  	s0 =	sand.u32 $0x1, s1  }
0x8c: {  	s14 =	sshll.u32 s0, $0xA;
	s2 =	sadd.s32 s3, s2  }
0x8d: {  	s2 =	sadd.s32 s2, s14  }
0x8e: {  	[smem:$0x3FC6] =	sst s2  }
0x8f: {  	_ = 	snop  }
0x90: {  	s2 =	sld [smem:$0x3FD0];
	_ =	sdelay $0x2  }
0x91: {  	s4 =	simm.s32 $0xA;
	s5 =	simm.s32 $0x10;
	s15 =	sld [smem:$0x3FC9]  }
0x92: {  	[smem:s5], [sflag:s4] =	dma.local [hbm:s2], $0x1  }
0x93: {  	_ =	swait.eq [sflag:s4], $0x1  }
0x94: {  	[sflag:s4] =	ssyncset.done $0x0  }
0x95: {  	[sflag:s4] =	ssyncadd.s32 $0xFFFFFFFF  }
0x96: {  	s16 =	sld [smem:$0x11];
	(tm) =	ssettm $0x1  }
0x97: {  	s17 =	sld [smem:$0x3FFB];
	_ =	sdelay $0x3  }
0x98: {  	_ =	strace s17  }
0x99: {  	s4 =	sld [smem:$0x3FFC];
	_ =	sdelay $0x3  }
0x9a: {  	_ =	strace s4  }
0x9b: {  	s4 =	sld [smem:$0x3FFD];
	_ =	sdelay $0x3  }
0x9c: {  	_ =	strace s4  }
0x9d: {  	_ =	strace $0x8FFFFFFF  }
0x9e: {  	s18 =	sld [smem:$0x3FDB];
	_ =	sdelay $0x1  }
0x9f: {  	s19 =	simm.s32 $_scs_section_size  }
0xa0: {  	s6 =	simm.s32 $_size__tile_overlayer_lowered;
	s7 =	simm.s32 $_tile_overlayer_lowered  }
0xa1: {  	s22 =	simm.s32 $0x1BFF;
	s21 =	sshll.u32 s7, $0x1;
	s4 =	sadd.s32 s19, s18  }
0xa2: {  	s8 =	simm.s32 $0x0;
	s20 =	sshll.u32 s6, $0x1;
	s6 =	sadd.s32 s21, s4  }
0xa3: {  	[timem:s8], [sflag:s22] =	dma.local [hbm:s6], s20  }
0xa4: {  	_ =	swait.ge [sflag:s22], s20  }
0xa5: {  	s5 =	ssub.s32 $0x0, s20;
	[sflag:s22] =	ssyncset.done $0x0  }
0xa6: {  	[sflag:s22] =	ssyncadd.s32 s5;
	_ =	sdelay $0x1  }
0xa7: {  	s23 =	simm.s32 $0x1B8B  }
0xa8: {  	_ =	swait.ge [sflag:s23], $0x1  }
0xa9: {  	[sflag:s23] =	ssyncset.done $0x0  }
0xaa: {  	s25 =	simm.s32 $0x1B8E;
	s24 =	sld [smem:$0x3FFE];
	[sflag:s23] =	ssyncadd.s32 $0xFFFFFFFF  }
0xab: {  	s26 =	simm.s32 $execute0_lowered;
	[smem:$0x3FD2] =	sst s25  }
0xac: {  	s6 =	sshll.u32 s26, $0x1;
	_ =	strace $0x80000046;
	[dreg:$0x1] =	wrdreg $0xFFFFFFFF  }
0xad: {  	s28 =	simm.s32 $_size_execute0_lowered;
	s4 =	sadd.s32 s4, s6;
	[dreg:$0x0] =	wrdreg $0x0  }
0xae: {  	s6 =	sshll.u32 s28, $0x1;
	[dreg:$0x2] =	wrdreg s4  }
0xaf: {  	[dreg:$0x3] =	wrdreg s6  }
0xb0: {  	[dreg:$0x4] =	wrdreg $0xC0  }
0xb1: {  	_ =	task [dreg:s8], $0x5FFFF  }
0xb2: {  	[dreg:$0x1] =	wrdreg $0xFFFFFFFF  }
0xb3: {  	[dreg:$0x0] =	wrdreg $0x60  }
0xb4: {  	[dreg:$0x2] =	wrdreg s15  }
0xb5: {  	[dreg:$0x3] =	wrdreg s24  }
0xb6: {  	[dreg:$0x4] =	wrdreg s16  }
0xb7: {  	[dreg:$0x5] =	wrdreg $0x9  }
0xb8: {  	_ =	task.clear_ibuf [dreg:s8], $0x6FFFF;
	_ =	strace $0x90000046  }
0xb9: {  	s29 =	simm.s32 $0x9;
	_ =	strace $0x80000048  }
0xba: {  	_ =	swait.ge [sflag:s29], $0x1  }
0xbb: {  	[sflag:s29] =	ssyncadd.s32 $0xFFFFFFFF  }
0xbc: {  	_ =	strace $0x90000048  }
0xbd: {  	_ =	sfence  }
0xbe: {  	s30 =	sld [smem:$0x0];
	_ =	sdelay $0x2  }
0xbf: {  	s31 =	sshll.u32 s1, $0xD;
	s1 =	sshrl.u32 s1, $0x2  }
0xc0: {  	s3 =	sand.u32 $0x4000, s31;
	s1 =	sadd.s32 s1, s30  }
0xc1: {  	s0 =	sor.u32 s3, s0;
	s1 =	sshll.u32 s1, $0x11  }
0xc2: {  	s0 =	sor.u32 s1, s0  }
0xc3: {  	s0 =	sadd.s32 $0x8F2B, s0  }
0xc4: {  	[sflag:s0] =	ssyncadd.remote.s32 $0x1  }
0xc5: {  	_ =	sfence.sel $0xFFFF  }
0xc6: {  	[dreg:$0x0] =	wrdreg $0xFFFFFFFF;
	(pc) =	sbr.abs _section_cstart, $3  }
0xc7: {  	[dreg:$0x1] =	wrdreg $0xFFFFFFFF  }
0xc8: {  	_ =	task.clear_ibuf [dreg:s8], $0x2FFFF;
	_ =	strace $0x9FFFFFFF  }
0xc9: {  	(tm) =	ssettm $0x7FFFFFFF  }
tec
execute0_lowered:
.L_overlay_start_1:
0x0: {  	(tag) =	ssettag $0x1  }
0x1: {  	s3 =	rddreg [dreg:$0x0]  }
0x2: {  	s5 =	rddreg [dreg:$0x1]  }
0x3: {  	s4 =	rddreg [dreg:$0x2]  }
0x4: {  	v0 =	vimm.s32 $0xEFCDAB89;
	s0 =	rddreg [dreg:$0x3];
	v1 =	vimm.s32 $0x67452301  }
0x5: {  	v2 =	vimm.s32 $0xDCFE98BA;
	s2 =	simm.s32 $0x0;
	s6 =	srdreg.scid;
	s1 =	stileid.u32;
	v3 =	vimm.s32 $0x54761032;
	v4 =	vimm.s32 $0xBA98FEDC  }
0x6: {  	v5 =	vimm.s32 $0x32107654;
	v6 =	vimm.s32 $0xFEDCBA98;
	s12 =	simm.s32 $0x2;
	s13 =	simm.s32 $0x0;
	[smem:$0x7FF] =	sst s2  }
0x7: {  	v7 =	vimm.s32 $0x76543210;
	v0 =	vunpack.c.l.s4.s8 v0;
	v1 =	vunpack.c.l.s4.s8 v1;
	s6 =	sand.u32 $0x1, s6;
	s7 =	sshll.u32 s1, $0x1;
	s8 =	sshrl.u32 s1, $0x2  }
0x8: {  	v2 =	vunpack.c.l.s4.s8 v2;
	v3 =	vunpack.c.l.s4.s8 v3;
	v4 =	vunpack.c.l.s4.s8 v4;
	_ =	strace $0x80000047;
	s7 =	sor.u32 s6, s7;
	s6 =	ssub.s32 $0x2, s6  }
0x9: {  	v5 =	vunpack.c.l.s4.s8 v5;
	v6 =	vunpack.c.l.s4.s8 v6;
	v7 =	vunpack.c.l.s4.s8 v7;
	s10 =	smul.u32 $0xC3800, s8;
	s8 =	sshll.u32 s8, $0xA;
	s9 =	sshll.u32 s7, $0x7  }
0xa: {  	v0 =	vunpack.c.0.s8.s32 v0;
	v1 =	vunpack.c.0.s8.s32 v1;
	v2 =	vunpack.c.0.s8.s32 v2;
	s11 =	sshrl.u32 s6, $0x1;
	s7 =	smul.u32 $0x18700, s7;
	s9 =	sand.u32 $0x380, s9  }
0xb: {  	v3 =	vunpack.c.0.s8.s32 v3;
	v4 =	vunpack.c.0.s8.s32 v4;
	v5 =	vunpack.c.0.s8.s32 v5;
	s6 =	ssub.s32 s6, s11;
	s11 =	simm.s32 $0x3;
	s10 =	sor.u32 s10, s9  }
0xc: {  	v6 =	vunpack.c.0.s8.s32 v6;
	s3 =	sadd.s32 s7, s3;
	s8 =	sor.u32 s8, s9;
	v1 =	vcombine.low v1, v0;
	s6 =	smax.u32 s6, $0x1  }
0xd: {  	v2 =	vcombine.low v3, v2;
	s7 =	simm.s32 $0x80;
	v3 =	vcombine.low v5, v4;
	v4 =	vunpack.c.0.s8.s32 v7;
	s9 =	simm.s32 $0x1;
	s30 =	sshrl.u32 s10, $0x3  }
0xe: {  	v0 =	vlaneseq.u32;
	v5 =	vand.u32 $0xF, v6;
	s3 =	sadd.s32 $0x70, s3;
	s31 =	sshrl.u32 s8, $0x3;
	s8 =	simm.s32 $0x400;
	v1 =	vand.u32 $0xF, v1  }
0xf: {  	s10 =	simm.s32 $0x18700;
	s4 =	sadd.s32 s4, s30;
	s5 =	sadd.s32 s5, s31;
	v2 =	vand.u32 $0xF, v2;
	v3 =	vand.u32 $0xF, v3;
	v4 =	vcombine.low v5, v4  }
.LBB2_1:
0x10: {  	[tilespmem:s2], [sflag:$0x1] =	stream.strided.gather [hbm4b:s3+s7], $0x18700, s8, s7, $0x38;
	[tilespmem:$0x18780] =	vst v63  }
0x11: {  	_ =	swait.ge [sflag:s9], $0x18700  }
0x12: {  	[sflag:s9] =	ssyncset.done $0x0  }
0x13: {  	s14 =	simm.s32 $0x140;
	[sflag:s9] =	ssyncadd.s32 $0xFFFE7900  }
0x14: {  	[hbm4b:s4+s7] =	stream.strided.scatter [tilespmem:s2], [sflag:$0x2], $0x18700, s8, s7, $0x38;
	[tilespmem:$0x18780] =	vst v63  }
0x15: {  	v10 =	vld [tilespmem:s14+$0x20]  }
0x16: {  	v13 =	vld [tilespmem:s14+$0xFFFFFFA0]  }
0x17: {  	v17 =	vld [tilespmem:s14+$0xA0]  }
0x18: {  	v11 =	vld [tilespmem:s14+$0x0]  }
0x19: {  	v5 =	vld [tilespmem:s14+$0xFFFFFEC0]  }
0x1a: {  	v15 =	vld [tilespmem:s14+$0xFFFFFF50]  }
0x1b: {  	v18 =	vld [tilespmem:s14+$0xFFFFFF40]  }
0x1c: {  	v25 =	vld [tilespmem:s14+$0xFFFFFF10]  }
0x1d: {  	v28 =	vld [tilespmem:s14+$0xFFFFFF00]  }
0x1e: {  	v9 =	vld [tilespmem:s14+$0xFFFFFF60]  }
0x1f: {  	v20 =	vimm.f32 $-Inf;
	v12 =	vimm.s32 $0x0;
	v14 =	vld [tilespmem:s14+$0xFFFFFFE0]  }
0x20: {  	v6 =	vadd.s32 $0x1E0, v12;
	v7 =	vadd.s32 $0x140, v12;
	v8 =	vadd.s32 $0xA0, v12;
	v22 =	vld [tilespmem:s14+$0xFFFFFF30]  }
0x21: {  	v21 =	vld [tilespmem:s14+$0xFFFFFFD0];
	vm0 =	vgt.f32 v5, v20;
	vm1 =	vgt.f32 v15, v20;
	vm2 =	vgt.f32 v18, v20  }
0x22: {  	v24 =	vld [tilespmem:s14+$0xFFFFFF20];
	vm6 =	vgt.f32 v25, v20;
	vm8 =	vgt.f32 v28, v20;
	v16 =	vsel vm0, v5, v20  }
0x23: {  	v19 =	vld [tilespmem:s14+$0xFFFFFFC0];
	v5 =	vadd.s32 $0x280, v12;
	v23 =	vsel vm0, v12, v12;
	vm0 =	vgt.f32 v9, v16  }
0x24: {  	v29 =	vld [tilespmem:s14+$0x80];
	v30 =	vsel vm2, v18, v20;
	v31 =	vsel vm8, v28, v20;
	v26 =	vsel vm0, v9, v16  }
0x25: {  	v18 =	vld [tilespmem:s14+$0xFFFFFEE0];
	v16 =	vsel vm1, v15, v20;
	v9 =	vsel vm1, v12, v12;
	vm1 =	vgt.f32 v22, v20  }
0x26: {  	v28 =	vsel vm6, v25, v20;
	v15 =	vld [tilespmem:s14+$0xFFFFFEF0];
	vm3 =	vgt.f32 v11, v26;
	v40 =	vsel vm1, v22, v20  }
0x27: {  	v34 =	vsel vm1, v12, v12;
	vm1 =	vgt.f32 v24, v20;
	v32 =	vsel vm3, v11, v26;
	v26 =	vld [tilespmem:s14+$0xFFFFFED0]  }
0x28: {  	v22 =	vsel vm6, v12, v12;
	v11 =	vsel vm0, v8, v23;
	vm7 =	vgt.f32 v21, v40;
	v23 =	vld [tilespmem:s14+$0xFFFFFF90]  }
0x29: {  	v38 =	vld [tilespmem:s14+$0xFFFFFF70];
	v27 =	vsel vm1, v24, v20;
	v24 =	vsel vm2, v12, v12;
	v37 =	vsel vm1, v12, v12  }
0x2a: {  	v41 =	vld [tilespmem:s14+$0x30];
	v11 =	vsel vm3, v7, v11;
	vm3 =	vgt.f32 v14, v30;
	vm5 =	vgt.f32 v18, v20  }
0x2b: {  	v42 =	vld [tilespmem:s14+$0x10];
	vm4 =	vgt.f32 v19, v27;
	v21 =	vsel vm7, v21, v40;
	vm2 =	vgt.f32 v15, v20  }
0x2c: {  	v40 =	vld [tilespmem:s14+$0xFFFFFF80];
	v33 =	vsel vm3, v8, v24;
	v39 =	vsel vm2, v15, v20;
	vm9 =	vgt.f32 v26, v20  }
0x2d: {  	v36 =	vsel vm3, v14, v30;
	vm3 =	vgt.f32 v23, v39;
	v14 =	vsel vm9, v26, v20;
	v26 =	vld [tilespmem:s14+$0xB0]  }
0x2e: {  	vm0 =	vgt.f32 v17, v32;
	v35 =	vsel vm5, v18, v20;
	v23 =	vsel vm3, v23, v39;
	v39 =	vld [tilespmem:s14+$0xD0]  }
0x2f: {  	v30 =	vimm.s32 $0x0;
	vm6 =	vgt.f32 v29, v36;
	v20 =	vld [tilespmem:s14+$0x70];
	vm10 =	vgt.f32 v38, v14  }
0x30: {  	v25 =	vsel vm9, v12, v12;
	v24 =	vsel vm10, v38, v14;
	v14 =	vsel vm7, v8, v34;
	v34 =	vld [tilespmem:s14+$0xFFFFFFB0]  }
0x31: {  	v18 =	vld [tilespmem:s14+$0x60];
	vm1 =	vgt.f32 v41, v23;
	v38 =	vsel vm8, v12, v12;
	vm8 =	vgt.f32 v42, v24  }
0x32: {  	s15 =	simm.s32 $0x0;
	s16 =	simm.s32 $0x3C0;
	v15 =	vld [tilespmem:s14+$0xFFFFFFF0];
	v41 =	vsel vm1, v41, v23;
	v23 =	vimm.s32 $0x0;
	v24 =	vsel vm8, v42, v24  }
.LBB2_2:
0x33: {  	v42 =	vld [tilespmem:s16+$0x20];
	s15 =	sadd.s32 $0x4, s15;
	v30 =	vsel vm2, v12, v30;
	v32 =	vsel vm0, v17, v32;
	vm7 =	vgt.f32 v39, v41  }
0x34: {  	v17 =	vsel vm10, v8, v25;
	vm10 =	vgt.f32 v26, v24;
	p0 =	slt.u32 s15, $0x26C;
	vm2 =	vgt.f32 v20, v21;
	v43 =	vld [tilespmem:s14+$0x120]  }
0x35: {  	v24 =	vsel vm10, v26, v24;
	v26 =	vsel vm7, v39, v41;
	vm9 =	vgt.f32 v34, v28;
	v44 =	vld [tilespmem:s14+$0x40]  }
0x36: {  	vm12 =	vgt.f32 v13, v31;
	v37 =	vsel vm4, v8, v37;
	vm11 =	vgt.f32 v40, v35  }
0x37: {  	v29 =	vsel vm6, v29, v36;
	v13 =	vsel vm12, v13, v31;
	v35 =	vsel vm11, v40, v35;
	v31 =	vld [tilespmem:s14+$0x110]  }
0x38: {  	v23 =	vsel vm5, v12, v23;
	v19 =	vsel vm4, v19, v27;
	v12 =	vmovc v5;
	vm5 =	vgt.f32 v10, v35;
	v27 =	vld [tilespmem:s14+$0xC0]  }
0x39: {  	v33 =	vsel vm6, v7, v33;
	v36 =	vsel vm12, v8, v38;
	v17 =	vsel vm8, v7, v17;
	v38 =	vld [tilespmem:s14+$0x100]  }
0x3a: {  	v25 =	vsel vm10, v6, v17;
	vm4 =	vgt.f32 v43, v29;
	vm6 =	vgt.f32 v44, v13;
	v39 =	vld [tilespmem:s14+$0x50]  }
0x3b: {  	vm8 =	vgt.f32 v18, v19;
	v17 =	vsel vm5, v10, v35;
	v10 =	vmovc v42;
	v29 =	vsel vm4, v43, v29;
	v35 =	vld [tilespmem:s14+$0x130]  }
0x3c: {  	v30 =	vsel vm3, v8, v30;
	v22 =	vsel vm9, v8, v22;
	v23 =	vsel vm11, v8, v23;
	v40 =	vld [tilespmem:s14+$0xE0]  }
0x3d: {  	v37 =	vsel vm8, v7, v37;
	v28 =	vsel vm9, v34, v28;
	v34 =	vsel vm6, v44, v13;
	v41 =	vld [tilespmem:s14+$0x90]  }
0x3e: {  	v18 =	vsel vm8, v18, v19;
	v36 =	vsel vm6, v7, v36;
	vm3 =	vgt.f32 v27, v17;
	v19 =	vld [tilespmem:s14+$0xF0];
	s14 =	smov.u32 s16  }
0x3f: {  	v42 =	vsel vm3, v27, v17;
	vm8 =	vgt.f32 v38, v18;
	v13 =	vld [tilespmem:s16+$0xFFFFFFA0];
	vm6 =	vgt.f32 v39, v28  }
0x40: {  	vm9 =	vgt.f32 v15, v16;
	v27 =	vsel vm1, v7, v30;
	v17 =	vld [tilespmem:s16+$0xA0];
	v22 =	vsel vm6, v7, v22  }
0x41: {  	v15 =	vsel vm9, v15, v16;
	v16 =	vsel vm6, v39, v28;
	v43 =	vld [tilespmem:s16+$0x0];
	vm1 =	vgt.f32 v40, v34  }
0x42: {  	v23 =	vsel vm5, v7, v23;
	v30 =	vsel vm7, v6, v27;
	v28 =	vld [tilespmem:s16+$0xFFFFFF60];
	vm5 =	vgt.f32 v41, v15  }
0x43: {  	v23 =	vsel vm3, v6, v23;
	v38 =	vsel vm8, v38, v18;
	v27 =	vld [tilespmem:s16+$0xFFFFFEC0];
	v15 =	vsel vm5, v41, v15  }
0x44: {  	v34 =	vsel vm1, v40, v34;
	vm3 =	vgt.f32 v19, v16;
	v39 =	vld [tilespmem:s16+$0xFFFFFFE0];
	vm6 =	vgt.f32 v35, v15  }
0x45: {  	v37 =	vsel vm8, v6, v37;
	v40 =	vsel vm1, v6, v36;
	v44 =	vld [tilespmem:s16+$0xFFFFFFD0];
	v35 =	vsel vm6, v35, v15  }
0x46: {  	v8 =	vsel vm9, v8, v9;
	v33 =	vsel vm4, v6, v33;
	v22 =	vsel vm3, v6, v22;
	v15 =	vld [tilespmem:s16+$0xFFFFFFF0]  }
0x47: {  	v14 =	vsel vm2, v7, v14;
	v9 =	vsel vm2, v20, v21;
	v7 =	vsel vm5, v7, v8;
	v18 =	vld [tilespmem:s16+$0x60]  }
0x48: {  	vm2 =	vgt.f32 v31, v9;
	v21 =	vsel vm3, v19, v16;
	vm1 =	vgt.f32 v27, v32;
	v20 =	vld [tilespmem:s16+$0xFFFFFF50]  }
0x49: {  	v31 =	vsel vm2, v31, v9;
	v14 =	vsel vm2, v6, v14;
	v16 =	vsel vm1, v27, v32;
	v27 =	vld [tilespmem:s16+$0xFFFFFF40]  }
0x4a: {  	v8 =	vsel vm0, v6, v11;
	v9 =	vsel vm6, v6, v7;
	v32 =	vld [tilespmem:s16+$0xFFFFFF30]  }
0x4b: {  	v5 =	vadd.s32 $0x280, v5;
	v6 =	vadd.s32 $0x1E0, v12;
	v19 =	vld [tilespmem:s16+$0xFFFFFFC0]  }
0x4c: {  	v7 =	vadd.s32 $0x140, v12;
	v11 =	vsel vm1, v12, v8;
	vm0 =	vgt.f32 v28, v16;
	v36 =	vld [tilespmem:s16+$0xFFFFFF20]  }
0x4d: {  	v8 =	vadd.s32 $0xA0, v12;
	v28 =	vsel vm0, v28, v16;
	v41 =	vld [tilespmem:s16+$0xFFFFFF10];
	vm1 =	vgt.f32 v20, v35  }
0x4e: {  	v45 =	vld [tilespmem:s16+$0xFFFFFF00];
	vm2 =	vgt.f32 v27, v29;
	v16 =	vsel vm1, v20, v35;
	v9 =	vsel vm1, v12, v9  }
0x4f: {  	vm3 =	vgt.f32 v43, v28;
	v20 =	vld [tilespmem:s16+$0xFFFFFEF0];
	vm1 =	vgt.f32 v32, v31;
	v46 =	vsel vm2, v27, v29  }
0x50: {  	v35 =	vld [tilespmem:s16+$0xFFFFFEE0];
	v47 =	vsel vm1, v32, v31;
	v14 =	vsel vm1, v12, v14;
	v32 =	vsel vm3, v43, v28  }
0x51: {  	v11 =	vsel vm0, v8, v11;
	v43 =	vld [tilespmem:s16+$0xFFFFFED0];
	vm1 =	vgt.f32 v36, v38;
	vm7 =	vgt.f32 v44, v47  }
0x52: {  	v11 =	vsel vm3, v7, v11;
	vm6 =	vgt.f32 v41, v21;
	v27 =	vsel vm1, v36, v38;
	v29 =	vld [tilespmem:s16+$0x80]  }
0x53: {  	v28 =	vsel vm2, v12, v33;
	vm8 =	vgt.f32 v45, v34;
	v22 =	vsel vm6, v12, v22;
	v38 =	vld [tilespmem:s16+$0xFFFFFF90]  }
0x54: {  	vm3 =	vgt.f32 v39, v46;
	vm2 =	vgt.f32 v20, v26;
	v31 =	vsel vm8, v45, v34;
	v34 =	vld [tilespmem:s16+$0xFFFFFF70]  }
0x55: {  	vm0 =	vgt.f32 v17, v32;
	vm4 =	vgt.f32 v19, v27;
	vm5 =	vgt.f32 v35, v42;
	v45 =	vld [tilespmem:s16+$0x30]  }
0x56: {  	v33 =	vsel vm3, v8, v28;
	v20 =	vsel vm2, v20, v26;
	vm9 =	vgt.f32 v43, v24;
	v48 =	vld [tilespmem:s16+$0x10]  }
0x57: {  	v36 =	vsel vm3, v39, v46;
	v28 =	vsel vm6, v41, v21;
	v35 =	vsel vm5, v35, v42;
	v26 =	vld [tilespmem:s16+$0xB0]  }
.Ltmp0:
0x58: {  	v37 =	vsel vm1, v12, v37;
	v21 =	vsel vm9, v43, v24;
	vm3 =	vgt.f32 v38, v20;
	v39 =	vld [tilespmem:s16+$0xD0];
	(pc) =	sbr.rel @p0 .LBB2_2-.Ltmp0, $4  }
0x59: {  	vm6 =	vgt.f32 v29, v36;
	vm10 =	vgt.f32 v34, v21;
	v24 =	vsel vm3, v38, v20;
	v20 =	vld [tilespmem:s16+$0x70]  }
0x5a: {  	v14 =	vsel vm7, v8, v14;
	v42 =	vsel vm10, v34, v21;
	v34 =	vld [tilespmem:s16+$0xFFFFFFB0];
	vm1 =	vgt.f32 v45, v24  }
0x5b: {  	v38 =	vsel vm8, v12, v40;
	v40 =	vld [tilespmem:s16+$0xFFFFFF80];
	vm8 =	vgt.f32 v48, v42;
	v41 =	vsel vm1, v45, v24  }
0x5c: {  	v25 =	vsel vm9, v12, v25;
	v21 =	vsel vm7, v44, v47;
	s16 =	sadd.s32 $0x280, s16;
	v24 =	vsel vm8, v48, v42  }
0x5d: {  	v30 =	vsel vm2, v12, v30;
	v17 =	vsel vm0, v17, v32;
	vm9 =	vgt.f32 v39, v41  }
0x5e: {  	v25 =	vsel vm10, v8, v25;
	v56 =	vimm.s32 $0x0;
	vm7 =	vgt.f32 v26, v24  }
0x5f: {  	vm12 =	vgt.f32 v13, v31;
	v37 =	vsel vm4, v8, v37;
	v29 =	vsel vm6, v29, v36  }
0x60: {  	v58 =	vsel vm5, v12, v23;
	v19 =	vsel vm4, v19, v27;
	v63 =	vimm.s32 $0x0  }
0x61: {  	v51 =	vimm.s32 $0x0;
	v54 =	vimm.s32 $0x0;
	v11 =	vsel vm0, v6, v11  }
0x62: {  	vm14 =	vgt.f32 v20, v21;
	v24 =	vsel vm7, v26, v24;
	v26 =	vsel vm9, v39, v41  }
0x63: {  	v13 =	vsel vm12, v13, v31;
	v60 =	vsel vm12, v8, v38;
	v25 =	vsel vm8, v7, v25  }
0x64: {  	v57 =	vld [tilespmem:s14+$0x120];
	v31 =	vsel vm6, v7, v33;
	vm13 =	vgt.f32 v18, v19;
	v30 =	vsel vm3, v8, v30  }
0x65: {  	v42 =	vld [tilespmem:s14+$0x40];
	v39 =	vor.u32 $0x20, v0;
	v32 =	vsel vm14, $0xFFFFFFFF, v56;
	vm10 =	vgt.f32 v34, v28  }
0x66: {  	v61 =	vld [tilespmem:s14+$0x100];
	v25 =	vsel vm7, v6, v25;
	v43 =	vsel vm13, v7, v37;
	v18 =	vsel vm13, v18, v19  }
0x67: {  	v44 =	vld [tilespmem:s14+$0x90];
	vm7 =	vgt.f32 v15, v16;
	v47 =	vsel vm1, v7, v30;
	v20 =	vsel vm14, v20, v21  }
0x68: {  	v53 =	vld [tilespmem:$0x18630];
	v56 =	vimm.s32 $0x0;
	v37 =	vor.u32 $0x10, v0;
	vm11 =	vgt.f32 v40, v35  }
0x69: {  	v59 =	vld [tilespmem:s14+$0xC0];
	v22 =	vsel vm10, v8, v22;
	v28 =	vsel vm10, v34, v28;
	v15 =	vsel vm7, v15, v16  }
0x6a: {  	v62 =	vld [tilespmem:s14+$0x50];
	v23 =	vsel vm9, v6, v47;
	v47 =	vor.u32 $0x40, v0;
	v35 =	vsel vm11, v40, v35  }
0x6b: {  	v48 =	vld [tilespmem:$0x18600];
	v12 =	vsel vm11, v8, v58;
	vm2 =	vgt.f32 v10, v35;
	vm15 =	vgt.f32 v42, v13  }
0x6c: {  	v45 =	vld [tilespmem:s14+$0x130];
	vm12 =	vgt.f32 v57, v29;
	vm8 =	vgt.f32 v61, v18;
	vm11 =	vgt.f32 v44, v15  }
0x6d: {  	v41 =	vld [tilespmem:s14+$0xE0];
	vm4 =	vgt.f32 v53, v26;
	v38 =	vsel vm12, $0xFFFFFFFF, v63;
	v10 =	vsel vm2, v10, v35  }
0x6e: {  	v46 =	vld [tilespmem:s14+$0xF0];
	v29 =	vsel vm12, v57, v29;
	v13 =	vsel vm15, v42, v13;
	v27 =	vsel vm15, v7, v60  }
0x6f: {  	v50 =	vld [tilespmem:$0x18610];
	vm15 =	vgt.f32 v62, v28;
	v12 =	vsel vm2, v7, v12;
	v36 =	vsel vm11, $0xFFFFFFFF, v51  }
0x70: {  	v52 =	vld [tilespmem:$0x18620];
	v15 =	vsel vm11, v44, v15;
	v18 =	vsel vm8, v61, v18;
	vm2 =	vgt.f32 v48, v17  }
0x71: {  	v40 =	vld [tilespmem:s14+$0x110];
	v26 =	vsel vm4, v53, v26;
	v42 =	vsel vm4, v5, v23;
	vm10 =	vgt.f32 v59, v10  }
0x72: {  	v55 =	vld [tilespmem:$0x18640];
	v22 =	vsel vm15, v7, v22;
	v49 =	vsel vm15, v62, v28;
	vm13 =	vgt.f32 v41, v13  }
0x73: {  	v58 =	vld [tilespmem:$0x18660];
	vm1 =	vgt.f32 v45, v15;
	v17 =	vsel vm2, v48, v17;
	v10 =	vsel vm10, v59, v10  }
0x74: {  	v57 =	vld [tilespmem:$0x18650];
	v13 =	vsel vm13, v41, v13;
	vm11 =	vgt.f32 v46, v49;
	v33 =	vsel vm1, $0xFFFFFFFF, v54  }
0x75: {  	v15 =	vsel vm1, v45, v15;
	vm1 =	vgt.f32 v50, v24;
	v16 =	vsel vm11, v46, v49  }
0x76: {  	v59 =	vld [tilespmem:$0x18670];
	vm12 =	vgt.f32 v40, v20;
	v24 =	vsel vm1, v50, v24;
	vm3 =	vgt.f32 v52, v10  }
0x77: {  	v60 =	vld [tilespmem:$0x18680];
	vm5 =	vgt.f32 v55, v13;
	v10 =	vsel vm3, v52, v10;
	v61 =	vmax.f32 v17, v24  }
0x78: {  	v62 =	vld [tilespmem:$0x18690];
	vm14 =	vgt.f32 v58, v18;
	v19 =	vsel vm12, $0xFFFFFFFF, v56;
	v35 =	vmax.f32 v61, v10  }
0x79: {  	v13 =	vsel vm5, v55, v13;
	vm15 =	vgt.f32 v57, v16;
	v63 =	vmax.f32 v35, v26  }
0x7a: {  	v20 =	vsel vm12, v40, v20;
	v16 =	vsel vm15, v57, v16;
	v35 =	vmax.f32 v63, v13  }
0x7b: {  	v18 =	vsel vm14, v58, v18;
	[tilespmem:$0x1FFE0] =	vst v19;
	vm12 =	vgt.f32 v59, v20;
	v19 =	vmax.f32 v35, v16  }
0x7c: {  	vm9 =	vgt.f32 v60, v29;
	v20 =	vsel vm12, v59, v20;
	v19 =	vmax.f32 v19, v18  }
0x7d: {  	[tilespmem:$0x1FFD0] =	vst v36;
	v36 =	vsel vm9, v60, v29;
	vm6 =	vgt.f32 v62, v15;
	v19 =	vmax.f32 v19, v20  }
0x7e: {  	v51 =	vor.u32 $0x50, v0;
	v15 =	vsel vm6, v62, v15;
	v19 =	vmax.f32 v19, v36  }
0x7f: {  	v11 =	vsel vm2, v5, v11;
	v25 =	vsel vm1, v5, v25;
	v19 =	vmax.f32 v19, v15  }
0x80: {  	v12 =	vsel vm10, v6, v12;
	v25 =	vadd.s32 v37, v25;
	vm0 =	veq.f32 v24, v19  }
0x81: {  	[tilespmem:$0x1FFB0] =	vst v38;
	v11 =	vadd.s32 v0, v11;
	v38 =	vsel vm13, v6, v27;
	v24 =	vnsel vm0, $0x7FFFFFFF, v25  }
0x82: {  	[tilespmem:$0x1FFC0] =	vst v32;
	v41 =	vsel vm7, v8, v9;
	v44 =	vsel vm11, v6, v22;
	vm0 =	vlt.s32 v11, v24  }
0x83: {  	v48 =	vld [tilespmem:$0x1FFC0];
	v12 =	vsel vm3, v5, v12;
	vm13 =	veq.f32 v17, v19;
	v11 =	vsel vm0, v11, v24  }
0x84: {  	v40 =	vsel vm8, v6, v43;
	v12 =	vadd.s32 v39, v12;
	v11 =	vsel vm13, v11, v24  }
0x85: {  	[tilespmem:$0x1FFF0] =	vst v33;
	v49 =	vld [tilespmem:$0x1FFD0];
	v43 =	vor.u32 $0x30, v0;
	v46 =	vsel vm5, v5, v38;
	vm0 =	vlt.s32 v11, v12  }
0x86: {  	v54 =	vld [tilespmem:$0x1FFF0];
	v55 =	vor.u32 $0x60, v0;
	vm10 =	veq.f32 v10, v19;
	v12 =	vsel vm0, v11, v12  }
0x87: {  	v45 =	vld [tilespmem:$0x1FFB0];
	v9 =	vadd.s32 v43, v42;
	v22 =	vadd.s32 v47, v46;
	v11 =	vsel vm10, v12, v11  }
0x88: {  	vm7 =	vnez.u8 v48;
	v50 =	vsel vm15, v5, v44;
	v53 =	vld [tilespmem:$0x1FFE0];
	vm4 =	vlt.s32 v11, v9  }
0x89: {  	v14 =	vsel vm7, v7, v14;
	vm5 =	veq.f32 v26, v19;
	v9 =	vsel vm4, v11, v9  }
0x8a: {  	v8 =	vadd.s32 v51, v50;
	vm8 =	vnez.u8 v49;
	v9 =	vsel vm5, v9, v11  }
0x8b: {  	v7 =	vsel vm8, v7, v41;
	vm15 =	vnez.u8 v54;
	vm10 =	vlt.s32 v9, v22  }
0x8c: {  	vm11 =	veq.f32 v13, v19;
	vm13 =	vnez.u8 v45;
	v52 =	vsel vm10, v9, v22  }
0x8d: {  	v12 =	vsel vm13, v6, v31;
	vm13 =	vnez.u8 v53;
	v9 =	vsel vm11, v52, v9  }
0x8e: {  	v13 =	vsel vm13, v6, v14;
	v6 =	vsel vm15, v6, v7;
	vm4 =	vlt.s32 v9, v8  }
0x8f: {  	v7 =	vsel vm14, v5, v40;
	vm5 =	veq.f32 v16, v19;
	v8 =	vsel vm4, v9, v8  }
0x90: {  	v56 =	vperm.xlane v19, v1;
	v7 =	vadd.s32 v55, v7;
	v8 =	vsel vm5, v8, v9  }
0x91: {  	v58 =	vor.u32 $0x70, v0;
	vm8 =	veq.f32 v18, v19;
	vm7 =	vlt.s32 v8, v7  }
0x92: {  	v57 =	vsel vm12, v5, v13;
	v9 =	vmax.f32 v19, v56;
	v7 =	vsel vm7, v8, v7  }
0x93: {  	v10 =	vadd.s32 v58, v57;
	v59 =	vperm.xlane v9, v2;
	v7 =	vsel vm8, v7, v8  }
0x94: {  	v61 =	vor.u32 $0x80, v0;
	v60 =	vsel vm9, v5, v12;
	vm9 =	vlt.s32 v7, v10  }
0x95: {  	vm10 =	veq.f32 v20, v19;
	v8 =	vmax.f32 v9, v59;
	v10 =	vsel vm9, v7, v10  }
0x96: {  	v62 =	vadd.s32 v61, v60;
	v63 =	vperm.xlane v8, v3;
	v7 =	vsel vm10, v10, v7  }
0x97: {  	v5 =	vsel vm6, v5, v6;
	v6 =	vor.u32 $0x90, v0;
	vm11 =	vlt.s32 v7, v62  }
0x98: {  	vm12 =	veq.f32 v36, v19;
	v8 =	vmax.f32 v8, v63;
	v9 =	vsel vm11, v7, v62  }
0x99: {  	v5 =	vadd.s32 v6, v5;
	v6 =	vsel vm12, v9, v7;
	v7 =	vperm.xlane v8, v4  }
0x9a: {  	vm13 =	vlt.s32 v6, v5  }
0x9b: {  	vm14 =	veq.f32 v15, v19;
	v5 =	vsel vm13, v6, v5;
	v7 =	vmax.f32 v8, v7  }
0x9c: {  	v5 =	vsel vm14, v5, v6;
	vm15 =	veq.f32 v19, v7  }
0x9d: {  	v5 =	vnsel vm15, $0x7FFFFFFF, v5  }
0x9e: {  	v6 =	vperm.xlane v5, v1;
	_ =	sdelay $0x1  }
0x9f: {  	vm0 =	vlt.s32 v5, v6  }
0xa0: {  	v5 =	vsel vm0, v5, v6  }
0xa1: {  	v6 =	vperm.xlane v5, v2;
	_ =	sdelay $0x1  }
0xa2: {  	vm0 =	vlt.s32 v5, v6  }
0xa3: {  	v5 =	vsel vm0, v5, v6  }
0xa4: {  	v6 =	vperm.xlane v5, v3;
	_ =	sdelay $0x1  }
0xa5: {  	vm0 =	vlt.s32 v5, v6  }
0xa6: {  	v5 =	vsel vm0, v5, v6  }
0xa7: {  	v6 =	vperm.xlane v5, v4;
	_ =	sdelay $0x1  }
0xa8: {  	vm0 =	vlt.s32 v5, v6  }
0xa9: {  	v5 =	vsel vm0, v5, v6  }
0xaa: {  	s13 =	sadd.s32 $0x1, s13;
	[tilespmem:$0x18700] =	vst v5  }
0xab: {  	[hbm4b:s5+s2] =	stream.linear.scatter [tilespmem:s10], [sflag:$0x3], $0x80, $0x38;
	[tilespmem:$0x18780] =	vst v63  }
0xac: {  	p0 =	sne.s32 s13, s6;
	_ =	swait.ge [sflag:s11], $0x80  }
.Ltmp1:
0xad: {  	[sflag:s11] =	ssyncset.done $0x0;
	(pc) =	sbr.rel @p0 .LBB2_1-.Ltmp1, $4  }
0xae: {  	[sflag:s11] =	ssyncadd.s32 $0xFFFFFF80  }
0xaf: {  	_ =	swait.ge [sflag:s12], $0x18700  }
0xb0: {  	[sflag:s12] =	ssyncset.done $0x0  }
0xb1: {  	[sflag:s12] =	ssyncadd.s32 $0xFFFE7900  }
0xb2: {  	_ =	sfence.sel $0x180000  }
0xb3: {  	[bflag:$0x0] =	sbarrier.arrive $0xFFFF  }
0xb4: {  	p0 =	sne.s32 s1, $0x0;
	_ =	strace $0x90000047  }
0xb5: {  	s0 =	sadd.s32 @!p0 $0x100000, s0;
	[bflag:$0x2] =	sbarrier.arrive $0xFFFF  }
0xb6: {  	[sflag:s0] =	ssyncadd.tile.s32 @!p0 $0x1;
	_ =	shalt  }
.Lfunc_end2:
_tile_overlayer_lowered:
.L_overlay_start_2:
0xb7: {  	(tag) =	ssettag $0x2  }
0xb8: {  	s0 =	rddreg [dreg:$0x0];
	s2 =	stileid.u32  }
0xb9: {  	s1 =	rddreg [dreg:$0x1];
	p0 =	sne.s32 s2, $0x0  }
0xba: {  	s3 =	rddreg [dreg:$0x2];
	[bflag:$0x3] =	sbarrier.arrive $0xFFFF;
	s2 =	simm.s32 @!p0 $0x1C03  }
0xbb: {  	[timem:s3], [sflag:s2] =	dma.local @!p0 [hbm:s0], s1  }
0xbc: {  	s0 =	simm.s32 @!p0 $0x3  }
0xbd: {  	_ =	swait.ge @!p0 [sflag:s0], s1  }
0xbe: {  	s1 =	ssub.s32 @!p0 $0x0, s1;
	[sflag:s0] =	ssyncset.done @!p0 $0x0  }
0xbf: {  	[sflag:s0] =	ssyncadd.s32 @!p0 s1  }
0xc0: {  	[bflag:$0x3] =	sbarrier.arrive $0xFFFF  }
0xc1: {  	_ =	shalt  }

</sc_bundles>
